<compile_context>
chip_gen: v7x
topology: tpu7x:2x2x1
jax: 0.10.2.dev20260603
libtpu: 0.0.44.dev20260713+nightly
codegen_flags: <defaults>
</compile_context>

<pallas_src>
import functools

import jax
import jax.numpy as jnp
from jax import lax
from jax.experimental import pallas as pl
from jax.experimental.pallas import tpu as pltpu
from jax.experimental.pallas import tpu_sc as plsc

_VOCAB = 100000
_EMB = 128
_BATCH = 16384
_NC = 2
_NS = 16
_NW = _NC * _NS
_BPW = _BATCH // _NW
_C = 128
_NCHUNK = _BPW // _C
_L = 16


def _dot_chunk(r1, r2, out_v, out_base):
    m_last = lax.iota(jnp.int32, _L) == (_L - 1)

    @plsc.parallel_loop(0, _C, unroll=2)
    def _body(g):
        for j in range(1):
            r = g + j
            p = [r1[r, pl.ds(k * _L, _L)] * r2[r, pl.ds(k * _L, _L)]
                 for k in range(_EMB // _L)]
            a = ((p[0] + p[1]) + (p[2] + p[3])) + ((p[4] + p[5]) + (p[6] + p[7]))
            cs = plsc.cumsum(a)
            plsc.store_compressed(out_v.at[pl.ds(out_base + r, _L)], cs,
                                  mask=m_last)


def _sigmoid_all(out_v):
    @plsc.parallel_loop(0, _BPW // _L, unroll=4)
    def _body(g):
        v = out_v[pl.ds(g * _L, _L)]
        out_v[pl.ds(g * _L, _L)] = 1.0 / (1.0 + jnp.exp(-v))


_mesh = plsc.VectorSubcoreMesh(core_axis_name="c", subcore_axis_name="s")


@functools.partial(
    pl.kernel,
    out_type=jax.ShapeDtypeStruct((_BATCH,), jnp.float32),
    mesh=_mesh,
    scratch_types=[
        pltpu.VMEM((_BPW,), jnp.int32),
        pltpu.VMEM((_BPW,), jnp.int32),
        pltpu.VMEM((_C, _EMB), jnp.float32),
        pltpu.VMEM((_C, _EMB), jnp.float32),
        pltpu.VMEM((_C, _EMB), jnp.float32),
        pltpu.VMEM((_C, _EMB), jnp.float32),
        pltpu.VMEM((_BPW + _L,), jnp.float32),
        pltpu.SemaphoreType.DMA,
        pltpu.SemaphoreType.DMA,
    ],
    compiler_params=pltpu.CompilerParams(needs_layout_passes=False),
)
def _contrastive_sc(w1_hbm, w2_hbm, e1_hbm, e2_hbm, out_hbm,
                    idx1_v, idx2_v, r1a, r1b, r2a, r2b, out_v, sem0, sem1):
    wid = lax.axis_index("s") * _NC + lax.axis_index("c")
    base = wid * _BPW

    icp1 = pltpu.async_copy(w1_hbm.at[pl.ds(base, _BPW)], idx1_v, sem0)
    icp2 = pltpu.async_copy(w2_hbm.at[pl.ds(base, _BPW)], idx2_v, sem1)
    icp1.wait()
    icp2.wait()

    r1 = (r1a, r1b)
    r2 = (r2a, r2b)
    sems = (sem0, sem1)

    def start(c):
        slot = c % 2
        cp1 = pltpu.async_copy(
            e1_hbm.at[idx1_v.at[pl.ds(c * _C, _C)]], r1[slot], sems[slot])
        cp2 = pltpu.async_copy(
            e2_hbm.at[idx2_v.at[pl.ds(c * _C, _C)]], r2[slot], sems[slot])
        return cp1, cp2

    cps = start(0)
    for c in range(_NCHUNK):
        cur = cps
        if c + 1 < _NCHUNK:
            cps = start(c + 1)
        cur[0].wait()
        cur[1].wait()
        slot = c % 2
        _dot_chunk(r1[slot], r2[slot], out_v, c * _C)

    _sigmoid_all(out_v)
    pltpu.sync_copy(out_v.at[pl.ds(0, _BPW)], out_hbm.at[pl.ds(base, _BPW)])


def kernel(word1, word2, E1, E2):
    return _contrastive_sc(word1.astype(jnp.int32), word2.astype(jnp.int32),
                           E1, E2)

# --- scband reference (transcript-rebuilt; emitter-appended) ---
"""Pipeline reference for scband-contrastive-model-57260503990322 (READ-ONLY COPY).

The authoritative reference and input builder live on the scoring server;
editing this copy changes nothing except your own understanding.
"""

import jax, jax.numpy as jnp
import numpy as np

VOCAB = 100000
EMB = 128
BATCH = 16384


def setup_inputs(seed: int = 0) -> dict:
    key = jax.random.key(seed)
    k1, k2, k3 = jax.random.split(key, 3)
    word1 = jax.random.randint(k1, (BATCH,), 0, VOCAB, dtype=jnp.int64 if jax.config.jax_enable_x64 else jnp.int32)
    word2 = jax.random.randint(k2, (BATCH,), 0, VOCAB, dtype=jnp.int64 if jax.config.jax_enable_x64 else jnp.int32)
    # embedder1 initialized uniform(-0.5/emb, 0.5/emb); embedder2 initialized to zeros
    E1 = jax.random.uniform(k3, (VOCAB, EMB), dtype=jnp.float32, minval=-0.5 / EMB, maxval=0.5 / EMB)
    E2 = jnp.zeros((VOCAB, EMB), dtype=jnp.float32)
    return {"word1": word1, "word2": word2, "E1": E1, "E2": E2}


def reference(word1, word2, E1, E2):
    # embedding lookups (gather)
    embedding1 = jnp.take(E1, word1, axis=0)  # [B, EMB]
    embedding2 = jnp.take(E2, word2, axis=0)  # [B, EMB]
    # sigma(<e1(w1), e2(w2)>)
    logits = jnp.sum(embedding1 * embedding2, axis=1)  # [B]
    return jax.nn.sigmoid(logits)

if __name__ == "__main__":
    import jax
    _d = setup_inputs()
    print(jax.jit(kernel)(*tuple(_d.values())))

</pallas_src>

<mosaic_0001>
#map = affine_map<(d0, d1) -> (0)>
#map1 = affine_map<(d0, d1) -> (0, 0)>
module attributes {stable_mosaic.version = 14 : i64} {
  func.func @_contrastive_sc(%arg0: i32, %arg1: i32, %arg2: memref<16384xi32, #tpu.memory_space<hbm>>, %arg3: memref<16384xi32, #tpu.memory_space<hbm>>, %arg4: memref<100000x128xf32, #tpu.memory_space<hbm>>, %arg5: memref<100000x128xf32, #tpu.memory_space<hbm>>, %arg6: memref<16384xf32, #tpu.memory_space<hbm>>, %arg7: memref<512xi32, #tpu.memory_space<vmem>>, %arg8: memref<512xi32, #tpu.memory_space<vmem>>, %arg9: memref<128x128xf32, #tpu.memory_space<vmem>>, %arg10: memref<128x128xf32, #tpu.memory_space<vmem>>, %arg11: memref<128x128xf32, #tpu.memory_space<vmem>>, %arg12: memref<128x128xf32, #tpu.memory_space<vmem>>, %arg13: memref<528xf32, #tpu.memory_space<vmem>>, %arg14: memref<!tpu.dma_semaphore, #tpu.memory_space<semaphore_mem>>, %arg15: memref<!tpu.dma_semaphore, #tpu.memory_space<semaphore_mem>>) attributes {dimension_semantics = [#tpu.dimension_semantics<core_parallel>, #tpu.dimension_semantics<subcore_parallel>], iteration_bounds = array<i64: 2, 16>, scalar_prefetch = 0 : i64, scratch_operands = 9 : i64, tpu.core_type = #tpu.core_type<sc_vector_subcore>, window_params = [{transform_indices = #map}, {transform_indices = #map}, {transform_indices = #map1}, {transform_indices = #map1}, {transform_indices = #map}]} {
    %mul3A = arith.constant 2 : i32
    %mul3A_0 = arith.muli %arg1, %mul3A : i32
    %add3A = arith.addi %mul3A_0, %arg0 : i32
    %mul3A_1 = arith.constant 512 : i32
    %mul3A_2 = arith.muli %add3A, %mul3A_1 : i32
    %dma_start3A = tpu.memref_slice %arg2[%mul3A_2] : memref<16384xi32, #tpu.memory_space<hbm>> -> memref<512xi32, #tpu.memory_space<hbm>>
    %dma_start3A_3 = tpu.memref_slice %arg2[%mul3A_2] : memref<16384xi32, #tpu.memory_space<hbm>> -> memref<512xi32, #tpu.memory_space<hbm>>
    tpu.enqueue_dma source(%dma_start3A_3 : memref<512xi32, #tpu.memory_space<hbm>>) target(%arg7 : memref<512xi32, #tpu.memory_space<vmem>>) target_semaphore(%arg14 : memref<!tpu.dma_semaphore, #tpu.memory_space<semaphore_mem>>)
    %dma_start3A_4 = tpu.memref_slice %arg3[%mul3A_2] : memref<16384xi32, #tpu.memory_space<hbm>> -> memref<512xi32, #tpu.memory_space<hbm>>
    %dma_start3A_5 = tpu.memref_slice %arg3[%mul3A_2] : memref<16384xi32, #tpu.memory_space<hbm>> -> memref<512xi32, #tpu.memory_space<hbm>>
    tpu.enqueue_dma source(%dma_start3A_5 : memref<512xi32, #tpu.memory_space<hbm>>) target(%arg8 : memref<512xi32, #tpu.memory_space<vmem>>) target_semaphore(%arg15 : memref<!tpu.dma_semaphore, #tpu.memory_space<semaphore_mem>>)
    %dma_wait3A = tpu.memref_slice %arg2[%mul3A_2] : memref<16384xi32, #tpu.memory_space<hbm>> -> memref<512xi32, #tpu.memory_space<hbm>>
    %dma_wait3A_6 = tpu.memref_slice %arg2[%mul3A_2] : memref<16384xi32, #tpu.memory_space<hbm>> -> memref<512xi32, #tpu.memory_space<hbm>>
    tpu.wait_dma2 semaphore(%arg14 : memref<!tpu.dma_semaphore, #tpu.memory_space<semaphore_mem>>) src(%dma_wait3A_6 : memref<512xi32, #tpu.memory_space<hbm>>) dst(%arg7 : memref<512xi32, #tpu.memory_space<vmem>>)
    %dma_wait3A_7 = tpu.memref_slice %arg3[%mul3A_2] : memref<16384xi32, #tpu.memory_space<hbm>> -> memref<512xi32, #tpu.memory_space<hbm>>
    %dma_wait3A_8 = tpu.memref_slice %arg3[%mul3A_2] : memref<16384xi32, #tpu.memory_space<hbm>> -> memref<512xi32, #tpu.memory_space<hbm>>
    tpu.wait_dma2 semaphore(%arg15 : memref<!tpu.dma_semaphore, #tpu.memory_space<semaphore_mem>>) src(%dma_wait3A_8 : memref<512xi32, #tpu.memory_space<hbm>>) dst(%arg8 : memref<512xi32, #tpu.memory_space<vmem>>)
    %dma_start3A_9 = arith.constant 0 : i32
    %dma_start3A_10 = tpu.memref_slice %arg7[%dma_start3A_9] : memref<512xi32, #tpu.memory_space<vmem>> -> memref<128xi32, #tpu.memory_space<vmem>>
    %dma_start3A_11 = arith.constant 0 : i32
    %dma_start3A_12 = arith.constant 0 : i32
    %dma_start3A_13 = tpu.memref_slice %arg4[%dma_start3A_11, %dma_start3A_12] : memref<100000x128xf32, #tpu.memory_space<hbm>> -> memref<100000x128xf32, #tpu.memory_space<hbm>>
    tpu.enqueue_indirect_dma source(%dma_start3A_13 : memref<100000x128xf32, #tpu.memory_space<hbm>>) target(%arg9 : memref<128x128xf32, #tpu.memory_space<vmem>>) offsets(%dma_start3A_10 : memref<128xi32, #tpu.memory_space<vmem>>) semaphore(%arg14 : memref<!tpu.dma_semaphore, #tpu.memory_space<semaphore_mem>>)
    %dma_start3A_14 = arith.constant 0 : i32
    %dma_start3A_15 = tpu.memref_slice %arg8[%dma_start3A_14] : memref<512xi32, #tpu.memory_space<vmem>> -> memref<128xi32, #tpu.memory_space<vmem>>
    %dma_start3A_16 = arith.constant 0 : i32
    %dma_start3A_17 = arith.constant 0 : i32
    %dma_start3A_18 = tpu.memref_slice %arg5[%dma_start3A_16, %dma_start3A_17] : memref<100000x128xf32, #tpu.memory_space<hbm>> -> memref<100000x128xf32, #tpu.memory_space<hbm>>
    tpu.enqueue_indirect_dma source(%dma_start3A_18 : memref<100000x128xf32, #tpu.memory_space<hbm>>) target(%arg11 : memref<128x128xf32, #tpu.memory_space<vmem>>) offsets(%dma_start3A_15 : memref<128xi32, #tpu.memory_space<vmem>>) semaphore(%arg14 : memref<!tpu.dma_semaphore, #tpu.memory_space<semaphore_mem>>)
    %dma_start3A_19 = arith.constant 128 : i32
    %dma_start3A_20 = tpu.memref_slice %arg7[%dma_start3A_19] : memref<512xi32, #tpu.memory_space<vmem>> -> memref<128xi32, #tpu.memory_space<vmem>>
    %dma_start3A_21 = arith.constant 0 : i32
    %dma_start3A_22 = arith.constant 0 : i32
    %dma_start3A_23 = tpu.memref_slice %arg4[%dma_start3A_21, %dma_start3A_22] : memref<100000x128xf32, #tpu.memory_space<hbm>> -> memref<100000x128xf32, #tpu.memory_space<hbm>>
    tpu.enqueue_indirect_dma source(%dma_start3A_23 : memref<100000x128xf32, #tpu.memory_space<hbm>>) target(%arg10 : memref<128x128xf32, #tpu.memory_space<vmem>>) offsets(%dma_start3A_20 : memref<128xi32, #tpu.memory_space<vmem>>) semaphore(%arg15 : memref<!tpu.dma_semaphore, #tpu.memory_space<semaphore_mem>>)
    %dma_start3A_24 = arith.constant 128 : i32
    %dma_start3A_25 = tpu.memref_slice %arg8[%dma_start3A_24] : memref<512xi32, #tpu.memory_space<vmem>> -> memref<128xi32, #tpu.memory_space<vmem>>
    %dma_start3A_26 = arith.constant 0 : i32
    %dma_start3A_27 = arith.constant 0 : i32
    %dma_start3A_28 = tpu.memref_slice %arg5[%dma_start3A_26, %dma_start3A_27] : memref<100000x128xf32, #tpu.memory_space<hbm>> -> memref<100000x128xf32, #tpu.memory_space<hbm>>
    tpu.enqueue_indirect_dma source(%dma_start3A_28 : memref<100000x128xf32, #tpu.memory_space<hbm>>) target(%arg12 : memref<128x128xf32, #tpu.memory_space<vmem>>) offsets(%dma_start3A_25 : memref<128xi32, #tpu.memory_space<vmem>>) semaphore(%arg15 : memref<!tpu.dma_semaphore, #tpu.memory_space<semaphore_mem>>)
    %dma_wait3A_29 = arith.constant 0 : i32
    %dma_wait3A_30 = tpu.memref_slice %arg7[%dma_wait3A_29] : memref<512xi32, #tpu.memory_space<vmem>> -> memref<128xi32, #tpu.memory_space<vmem>>
    %dma_wait3A_31 = arith.constant 0 : i32
    %dma_wait3A_32 = arith.constant 0 : i32
    %dma_wait3A_33 = tpu.memref_slice %arg4[%dma_wait3A_31, %dma_wait3A_32] : memref<100000x128xf32, #tpu.memory_space<hbm>> -> memref<100000x128xf32, #tpu.memory_space<hbm>>
    tpu.wait_indirect_dma semaphore(%arg14 : memref<!tpu.dma_semaphore, #tpu.memory_space<semaphore_mem>>) src(%dma_wait3A_33 : memref<100000x128xf32, #tpu.memory_space<hbm>>) dst(%arg9 : memref<128x128xf32, #tpu.memory_space<vmem>>)
    %dma_wait3A_34 = arith.constant 0 : i32
    %dma_wait3A_35 = tpu.memref_slice %arg8[%dma_wait3A_34] : memref<512xi32, #tpu.memory_space<vmem>> -> memref<128xi32, #tpu.memory_space<vmem>>
    %dma_wait3A_36 = arith.constant 0 : i32
    %dma_wait3A_37 = arith.constant 0 : i32
    %dma_wait3A_38 = tpu.memref_slice %arg5[%dma_wait3A_36, %dma_wait3A_37] : memref<100000x128xf32, #tpu.memory_space<hbm>> -> memref<100000x128xf32, #tpu.memory_space<hbm>>
    tpu.wait_indirect_dma semaphore(%arg14 : memref<!tpu.dma_semaphore, #tpu.memory_space<semaphore_mem>>) src(%dma_wait3A_38 : memref<100000x128xf32, #tpu.memory_space<hbm>>) dst(%arg11 : memref<128x128xf32, #tpu.memory_space<vmem>>)
    %iota3A = tpu.iota {dimensions = array<i32: 0>} : vector<16xi32>
    %eq3A = arith.constant 15 : i32
    %eq3A_39 = vector.broadcast %eq3A : i32 to vector<16xi32>
    %eq3A_40 = arith.cmpi eq, %iota3A, %eq3A_39 : vector<16xi32>
    %parallel_loop3A = arith.constant 0 : i32
    %parallel_loop3A_41 = arith.constant 128 : i32
    %parallel_loop3A_42 = arith.constant 1 : i32
    scf.for %parallel_loop3A_117 = %parallel_loop3A to %parallel_loop3A_41 step %parallel_loop3A_42  : i32 {
      %parallel_loop3A_118 = arith.constant 0 : i32
      %parallel_loop3A_119 = arith.addi %parallel_loop3A_117, %parallel_loop3A_118 : i32
      %parallel_loop3A_120 = arith.index_cast %parallel_loop3A_119 : i32 to index
      %parallel_loop3A_121 = arith.constant 0 : index
      %parallel_loop3A_122 = tpu.vector_load %arg9[%parallel_loop3A_120, %parallel_loop3A_121] {strides = array<i32>} : memref<128x128xf32, #tpu.memory_space<vmem>>, vector<16xf32>,
      %parallel_loop3A_123 = arith.index_cast %parallel_loop3A_119 : i32 to index
      %parallel_loop3A_124 = arith.constant 0 : index
      %parallel_loop3A_125 = tpu.vector_load %arg11[%parallel_loop3A_123, %parallel_loop3A_124] {strides = array<i32>} : memref<128x128xf32, #tpu.memory_space<vmem>>, vector<16xf32>,
      %parallel_loop3A_126 = arith.mulf %parallel_loop3A_122, %parallel_loop3A_125 : vector<16xf32>
      %parallel_loop3A_127 = arith.index_cast %parallel_loop3A_119 : i32 to index
      %parallel_loop3A_128 = arith.constant 16 : index
      %parallel_loop3A_129 = tpu.vector_load %arg9[%parallel_loop3A_127, %parallel_loop3A_128] {strides = array<i32>} : memref<128x128xf32, #tpu.memory_space<vmem>>, vector<16xf32>,
      %parallel_loop3A_130 = arith.index_cast %parallel_loop3A_119 : i32 to index
      %parallel_loop3A_131 = arith.constant 16 : index
      %parallel_loop3A_132 = tpu.vector_load %arg11[%parallel_loop3A_130, %parallel_loop3A_131] {strides = array<i32>} : memref<128x128xf32, #tpu.memory_space<vmem>>, vector<16xf32>,
      %parallel_loop3A_133 = arith.mulf %parallel_loop3A_129, %parallel_loop3A_132 : vector<16xf32>
      %parallel_loop3A_134 = arith.index_cast %parallel_loop3A_119 : i32 to index
      %parallel_loop3A_135 = arith.constant 32 : index
      %parallel_loop3A_136 = tpu.vector_load %arg9[%parallel_loop3A_134, %parallel_loop3A_135] {strides = array<i32>} : memref<128x128xf32, #tpu.memory_space<vmem>>, vector<16xf32>,
      %parallel_loop3A_137 = arith.index_cast %parallel_loop3A_119 : i32 to index
      %parallel_loop3A_138 = arith.constant 32 : index
      %parallel_loop3A_139 = tpu.vector_load %arg11[%parallel_loop3A_137, %parallel_loop3A_138] {strides = array<i32>} : memref<128x128xf32, #tpu.memory_space<vmem>>, vector<16xf32>,
      %parallel_loop3A_140 = arith.mulf %parallel_loop3A_136, %parallel_loop3A_139 : vector<16xf32>
      %parallel_loop3A_141 = arith.index_cast %parallel_loop3A_119 : i32 to index
      %parallel_loop3A_142 = arith.constant 48 : index
      %parallel_loop3A_143 = tpu.vector_load %arg9[%parallel_loop3A_141, %parallel_loop3A_142] {strides = array<i32>} : memref<128x128xf32, #tpu.memory_space<vmem>>, vector<16xf32>,
      %parallel_loop3A_144 = arith.index_cast %parallel_loop3A_119 : i32 to index
      %parallel_loop3A_145 = arith.constant 48 : index
      %parallel_loop3A_146 = tpu.vector_load %arg11[%parallel_loop3A_144, %parallel_loop3A_145] {strides = array<i32>} : memref<128x128xf32, #tpu.memory_space<vmem>>, vector<16xf32>,
      %parallel_loop3A_147 = arith.mulf %parallel_loop3A_143, %parallel_loop3A_146 : vector<16xf32>
      %parallel_loop3A_148 = arith.index_cast %parallel_loop3A_119 : i32 to index
      %parallel_loop3A_149 = arith.constant 64 : index
      %parallel_loop3A_150 = tpu.vector_load %arg9[%parallel_loop3A_148, %parallel_loop3A_149] {strides = array<i32>} : memref<128x128xf32, #tpu.memory_space<vmem>>, vector<16xf32>,
      %parallel_loop3A_151 = arith.index_cast %parallel_loop3A_119 : i32 to index
      %parallel_loop3A_152 = arith.constant 64 : index
      %parallel_loop3A_153 = tpu.vector_load %arg11[%parallel_loop3A_151, %parallel_loop3A_152] {strides = array<i32>} : memref<128x128xf32, #tpu.memory_space<vmem>>, vector<16xf32>,
      %parallel_loop3A_154 = arith.mulf %parallel_loop3A_150, %parallel_loop3A_153 : vector<16xf32>
      %parallel_loop3A_155 = arith.index_cast %parallel_loop3A_119 : i32 to index
      %parallel_loop3A_156 = arith.constant 80 : index
      %parallel_loop3A_157 = tpu.vector_load %arg9[%parallel_loop3A_155, %parallel_loop3A_156] {strides = array<i32>} : memref<128x128xf32, #tpu.memory_space<vmem>>, vector<16xf32>,
      %parallel_loop3A_158 = arith.index_cast %parallel_loop3A_119 : i32 to index
      %parallel_loop3A_159 = arith.constant 80 : index
      %parallel_loop3A_160 = tpu.vector_load %arg11[%parallel_loop3A_158, %parallel_loop3A_159] {strides = array<i32>} : memref<128x128xf32, #tpu.memory_space<vmem>>, vector<16xf32>,
      %parallel_loop3A_161 = arith.mulf %parallel_loop3A_157, %parallel_loop3A_160 : vector<16xf32>
      %parallel_loop3A_162 = arith.index_cast %parallel_loop3A_119 : i32 to index
      %parallel_loop3A_163 = arith.constant 96 : index
      %parallel_loop3A_164 = tpu.vector_load %arg9[%parallel_loop3A_162, %parallel_loop3A_163] {strides = array<i32>} : memref<128x128xf32, #tpu.memory_space<vmem>>, vector<16xf32>,
      %parallel_loop3A_165 = arith.index_cast %parallel_loop3A_119 : i32 to index
      %parallel_loop3A_166 = arith.constant 96 : index
      %parallel_loop3A_167 = tpu.vector_load %arg11[%parallel_loop3A_165, %parallel_loop3A_166] {strides = array<i32>} : memref<128x128xf32, #tpu.memory_space<vmem>>, vector<16xf32>,
      %parallel_loop3A_168 = arith.mulf %parallel_loop3A_164, %parallel_loop3A_167 : vector<16xf32>
      %parallel_loop3A_169 = arith.index_cast %parallel_loop3A_119 : i32 to index
      %parallel_loop3A_170 = arith.constant 112 : index
      %parallel_loop3A_171 = tpu.vector_load %arg9[%parallel_loop3A_169, %parallel_loop3A_170] {strides = array<i32>} : memref<128x128xf32, #tpu.memory_space<vmem>>, vector<16xf32>,
      %parallel_loop3A_172 = arith.index_cast %parallel_loop3A_119 : i32 to index
      %parallel_loop3A_173 = arith.constant 112 : index
      %parallel_loop3A_174 = tpu.vector_load %arg11[%parallel_loop3A_172, %parallel_loop3A_173] {strides = array<i32>} : memref<128x128xf32, #tpu.memory_space<vmem>>, vector<16xf32>,
      %parallel_loop3A_175 = arith.mulf %parallel_loop3A_171, %parallel_loop3A_174 : vector<16xf32>
      %parallel_loop3A_176 = arith.addf %parallel_loop3A_126, %parallel_loop3A_133 : vector<16xf32>
      %parallel_loop3A_177 = arith.addf %parallel_loop3A_140, %parallel_loop3A_147 : vector<16xf32>
      %parallel_loop3A_178 = arith.addf %parallel_loop3A_176, %parallel_loop3A_177 : vector<16xf32>
      %parallel_loop3A_179 = arith.addf %parallel_loop3A_154, %parallel_loop3A_161 : vector<16xf32>
      %parallel_loop3A_180 = arith.addf %parallel_loop3A_168, %parallel_loop3A_175 : vector<16xf32>
      %parallel_loop3A_181 = arith.addf %parallel_loop3A_179, %parallel_loop3A_180 : vector<16xf32>
      %parallel_loop3A_182 = arith.addf %parallel_loop3A_178, %parallel_loop3A_181 : vector<16xf32>
      %parallel_loop3A_183 = arith.constant true
      %parallel_loop3A_184 = vector.broadcast %parallel_loop3A_183 : i1 to vector<16xi1>
      %parallel_loop3A_185 = tpu.scan <sum>, %parallel_loop3A_182 masked %parallel_loop3A_184 : vector<16xf32>, vector<16xi1> -> vector<16xf32>
      %parallel_loop3A_186 = arith.constant 0 : i32
      %parallel_loop3A_187 = arith.addi %parallel_loop3A_186, %parallel_loop3A_119 : i32
      %parallel_loop3A_188 = arith.index_cast %parallel_loop3A_187 : i32 to index
      %parallel_loop3A_189 = tpu.vector_load %arg13[%parallel_loop3A_188] masked %eq3A_40 {strides = array<i32>} : memref<528xf32, #tpu.memory_space<vmem>>, vector<16xf32>, vector<16xi1>
      tpu.vector_store %arg13[%parallel_loop3A_188], %parallel_loop3A_185 masked %eq3A_40 {strides = array<i32>} : memref<528xf32, #tpu.memory_space<vmem>>, vector<16xf32>, vector<16xi1>
    } {sc.loop_unroll_factor = 2 : i64, sc.parallel_access}
    %dma_start3A_43 = arith.constant 256 : i32
    %dma_start3A_44 = tpu.memref_slice %arg7[%dma_start3A_43] : memref<512xi32, #tpu.memory_space<vmem>> -> memref<128xi32, #tpu.memory_space<vmem>>
    %dma_start3A_45 = arith.constant 0 : i32
    %dma_start3A_46 = arith.constant 0 : i32
    %dma_start3A_47 = tpu.memref_slice %arg4[%dma_start3A_45, %dma_start3A_46] : memref<100000x128xf32, #tpu.memory_space<hbm>> -> memref<100000x128xf32, #tpu.memory_space<hbm>>
    tpu.enqueue_indirect_dma source(%dma_start3A_47 : memref<100000x128xf32, #tpu.memory_space<hbm>>) target(%arg9 : memref<128x128xf32, #tpu.memory_space<vmem>>) offsets(%dma_start3A_44 : memref<128xi32, #tpu.memory_space<vmem>>) semaphore(%arg14 : memref<!tpu.dma_semaphore, #tpu.memory_space<semaphore_mem>>)
    %dma_start3A_48 = arith.constant 256 : i32
    %dma_start3A_49 = tpu.memref_slice %arg8[%dma_start3A_48] : memref<512xi32, #tpu.memory_space<vmem>> -> memref<128xi32, #tpu.memory_space<vmem>>
    %dma_start3A_50 = arith.constant 0 : i32
    %dma_start3A_51 = arith.constant 0 : i32
    %dma_start3A_52 = tpu.memref_slice %arg5[%dma_start3A_50, %dma_start3A_51] : memref<100000x128xf32, #tpu.memory_space<hbm>> -> memref<100000x128xf32, #tpu.memory_space<hbm>>
    tpu.enqueue_indirect_dma source(%dma_start3A_52 : memref<100000x128xf32, #tpu.memory_space<hbm>>) target(%arg11 : memref<128x128xf32, #tpu.memory_space<vmem>>) offsets(%dma_start3A_49 : memref<128xi32, #tpu.memory_space<vmem>>) semaphore(%arg14 : memref<!tpu.dma_semaphore, #tpu.memory_space<semaphore_mem>>)
    %dma_wait3A_53 = arith.constant 128 : i32
    %dma_wait3A_54 = tpu.memref_slice %arg7[%dma_wait3A_53] : memref<512xi32, #tpu.memory_space<vmem>> -> memref<128xi32, #tpu.memory_space<vmem>>
    %dma_wait3A_55 = arith.constant 0 : i32
    %dma_wait3A_56 = arith.constant 0 : i32
    %dma_wait3A_57 = tpu.memref_slice %arg4[%dma_wait3A_55, %dma_wait3A_56] : memref<100000x128xf32, #tpu.memory_space<hbm>> -> memref<100000x128xf32, #tpu.memory_space<hbm>>
    tpu.wait_indirect_dma semaphore(%arg15 : memref<!tpu.dma_semaphore, #tpu.memory_space<semaphore_mem>>) src(%dma_wait3A_57 : memref<100000x128xf32, #tpu.memory_space<hbm>>) dst(%arg10 : memref<128x128xf32, #tpu.memory_space<vmem>>)
    %dma_wait3A_58 = arith.constant 128 : i32
    %dma_wait3A_59 = tpu.memref_slice %arg8[%dma_wait3A_58] : memref<512xi32, #tpu.memory_space<vmem>> -> memref<128xi32, #tpu.memory_space<vmem>>
    %dma_wait3A_60 = arith.constant 0 : i32
    %dma_wait3A_61 = arith.constant 0 : i32
    %dma_wait3A_62 = tpu.memref_slice %arg5[%dma_wait3A_60, %dma_wait3A_61] : memref<100000x128xf32, #tpu.memory_space<hbm>> -> memref<100000x128xf32, #tpu.memory_space<hbm>>
    tpu.wait_indirect_dma semaphore(%arg15 : memref<!tpu.dma_semaphore, #tpu.memory_space<semaphore_mem>>) src(%dma_wait3A_62 : memref<100000x128xf32, #tpu.memory_space<hbm>>) dst(%arg12 : memref<128x128xf32, #tpu.memory_space<vmem>>)
    %iota3A_63 = tpu.iota {dimensions = array<i32: 0>} : vector<16xi32>
    %eq3A_64 = arith.constant 15 : i32
    %eq3A_65 = vector.broadcast %eq3A_64 : i32 to vector<16xi32>
    %eq3A_66 = arith.cmpi eq, %iota3A_63, %eq3A_65 : vector<16xi32>
    %parallel_loop3A_67 = arith.constant 0 : i32
    %parallel_loop3A_68 = arith.constant 128 : i32
    %parallel_loop3A_69 = arith.constant 1 : i32
    scf.for %parallel_loop3A_117 = %parallel_loop3A_67 to %parallel_loop3A_68 step %parallel_loop3A_69  : i32 {
      %parallel_loop3A_118 = arith.constant 0 : i32
      %parallel_loop3A_119 = arith.addi %parallel_loop3A_117, %parallel_loop3A_118 : i32
      %parallel_loop3A_120 = arith.index_cast %parallel_loop3A_119 : i32 to index
      %parallel_loop3A_121 = arith.constant 0 : index
      %parallel_loop3A_122 = tpu.vector_load %arg10[%parallel_loop3A_120, %parallel_loop3A_121] {strides = array<i32>} : memref<128x128xf32, #tpu.memory_space<vmem>>, vector<16xf32>,
      %parallel_loop3A_123 = arith.index_cast %parallel_loop3A_119 : i32 to index
      %parallel_loop3A_124 = arith.constant 0 : index
      %parallel_loop3A_125 = tpu.vector_load %arg12[%parallel_loop3A_123, %parallel_loop3A_124] {strides = array<i32>} : memref<128x128xf32, #tpu.memory_space<vmem>>, vector<16xf32>,
      %parallel_loop3A_126 = arith.mulf %parallel_loop3A_122, %parallel_loop3A_125 : vector<16xf32>
      %parallel_loop3A_127 = arith.index_cast %parallel_loop3A_119 : i32 to index
      %parallel_loop3A_128 = arith.constant 16 : index
      %parallel_loop3A_129 = tpu.vector_load %arg10[%parallel_loop3A_127, %parallel_loop3A_128] {strides = array<i32>} : memref<128x128xf32, #tpu.memory_space<vmem>>, vector<16xf32>,
      %parallel_loop3A_130 = arith.index_cast %parallel_loop3A_119 : i32 to index
      %parallel_loop3A_131 = arith.constant 16 : index
      %parallel_loop3A_132 = tpu.vector_load %arg12[%parallel_loop3A_130, %parallel_loop3A_131] {strides = array<i32>} : memref<128x128xf32, #tpu.memory_space<vmem>>, vector<16xf32>,
      %parallel_loop3A_133 = arith.mulf %parallel_loop3A_129, %parallel_loop3A_132 : vector<16xf32>
      %parallel_loop3A_134 = arith.index_cast %parallel_loop3A_119 : i32 to index
      %parallel_loop3A_135 = arith.constant 32 : index
      %parallel_loop3A_136 = tpu.vector_load %arg10[%parallel_loop3A_134, %parallel_loop3A_135] {strides = array<i32>} : memref<128x128xf32, #tpu.memory_space<vmem>>, vector<16xf32>,
      %parallel_loop3A_137 = arith.index_cast %parallel_loop3A_119 : i32 to index
      %parallel_loop3A_138 = arith.constant 32 : index
      %parallel_loop3A_139 = tpu.vector_load %arg12[%parallel_loop3A_137, %parallel_loop3A_138] {strides = array<i32>} : memref<128x128xf32, #tpu.memory_space<vmem>>, vector<16xf32>,
      %parallel_loop3A_140 = arith.mulf %parallel_loop3A_136, %parallel_loop3A_139 : vector<16xf32>
      %parallel_loop3A_141 = arith.index_cast %parallel_loop3A_119 : i32 to index
      %parallel_loop3A_142 = arith.constant 48 : index
      %parallel_loop3A_143 = tpu.vector_load %arg10[%parallel_loop3A_141, %parallel_loop3A_142] {strides = array<i32>} : memref<128x128xf32, #tpu.memory_space<vmem>>, vector<16xf32>,
      %parallel_loop3A_144 = arith.index_cast %parallel_loop3A_119 : i32 to index
      %parallel_loop3A_145 = arith.constant 48 : index
      %parallel_loop3A_146 = tpu.vector_load %arg12[%parallel_loop3A_144, %parallel_loop3A_145] {strides = array<i32>} : memref<128x128xf32, #tpu.memory_space<vmem>>, vector<16xf32>,
      %parallel_loop3A_147 = arith.mulf %parallel_loop3A_143, %parallel_loop3A_146 : vector<16xf32>
      %parallel_loop3A_148 = arith.index_cast %parallel_loop3A_119 : i32 to index
      %parallel_loop3A_149 = arith.constant 64 : index
      %parallel_loop3A_150 = tpu.vector_load %arg10[%parallel_loop3A_148, %parallel_loop3A_149] {strides = array<i32>} : memref<128x128xf32, #tpu.memory_space<vmem>>, vector<16xf32>,
      %parallel_loop3A_151 = arith.index_cast %parallel_loop3A_119 : i32 to index
      %parallel_loop3A_152 = arith.constant 64 : index
      %parallel_loop3A_153 = tpu.vector_load %arg12[%parallel_loop3A_151, %parallel_loop3A_152] {strides = array<i32>} : memref<128x128xf32, #tpu.memory_space<vmem>>, vector<16xf32>,
      %parallel_loop3A_154 = arith.mulf %parallel_loop3A_150, %parallel_loop3A_153 : vector<16xf32>
      %parallel_loop3A_155 = arith.index_cast %parallel_loop3A_119 : i32 to index
      %parallel_loop3A_156 = arith.constant 80 : index
      %parallel_loop3A_157 = tpu.vector_load %arg10[%parallel_loop3A_155, %parallel_loop3A_156] {strides = array<i32>} : memref<128x128xf32, #tpu.memory_space<vmem>>, vector<16xf32>,
      %parallel_loop3A_158 = arith.index_cast %parallel_loop3A_119 : i32 to index
      %parallel_loop3A_159 = arith.constant 80 : index
      %parallel_loop3A_160 = tpu.vector_load %arg12[%parallel_loop3A_158, %parallel_loop3A_159] {strides = array<i32>} : memref<128x128xf32, #tpu.memory_space<vmem>>, vector<16xf32>,
      %parallel_loop3A_161 = arith.mulf %parallel_loop3A_157, %parallel_loop3A_160 : vector<16xf32>
      %parallel_loop3A_162 = arith.index_cast %parallel_loop3A_119 : i32 to index
      %parallel_loop3A_163 = arith.constant 96 : index
      %parallel_loop3A_164 = tpu.vector_load %arg10[%parallel_loop3A_162, %parallel_loop3A_163] {strides = array<i32>} : memref<128x128xf32, #tpu.memory_space<vmem>>, vector<16xf32>,
      %parallel_loop3A_165 = arith.index_cast %parallel_loop3A_119 : i32 to index
      %parallel_loop3A_166 = arith.constant 96 : index
      %parallel_loop3A_167 = tpu.vector_load %arg12[%parallel_loop3A_165, %parallel_loop3A_166] {strides = array<i32>} : memref<128x128xf32, #tpu.memory_space<vmem>>, vector<16xf32>,
      %parallel_loop3A_168 = arith.mulf %parallel_loop3A_164, %parallel_loop3A_167 : vector<16xf32>
      %parallel_loop3A_169 = arith.index_cast %parallel_loop3A_119 : i32 to index
      %parallel_loop3A_170 = arith.constant 112 : index
      %parallel_loop3A_171 = tpu.vector_load %arg10[%parallel_loop3A_169, %parallel_loop3A_170] {strides = array<i32>} : memref<128x128xf32, #tpu.memory_space<vmem>>, vector<16xf32>,
      %parallel_loop3A_172 = arith.index_cast %parallel_loop3A_119 : i32 to index
      %parallel_loop3A_173 = arith.constant 112 : index
      %parallel_loop3A_174 = tpu.vector_load %arg12[%parallel_loop3A_172, %parallel_loop3A_173] {strides = array<i32>} : memref<128x128xf32, #tpu.memory_space<vmem>>, vector<16xf32>,
      %parallel_loop3A_175 = arith.mulf %parallel_loop3A_171, %parallel_loop3A_174 : vector<16xf32>
      %parallel_loop3A_176 = arith.addf %parallel_loop3A_126, %parallel_loop3A_133 : vector<16xf32>
      %parallel_loop3A_177 = arith.addf %parallel_loop3A_140, %parallel_loop3A_147 : vector<16xf32>
      %parallel_loop3A_178 = arith.addf %parallel_loop3A_176, %parallel_loop3A_177 : vector<16xf32>
      %parallel_loop3A_179 = arith.addf %parallel_loop3A_154, %parallel_loop3A_161 : vector<16xf32>
      %parallel_loop3A_180 = arith.addf %parallel_loop3A_168, %parallel_loop3A_175 : vector<16xf32>
      %parallel_loop3A_181 = arith.addf %parallel_loop3A_179, %parallel_loop3A_180 : vector<16xf32>
      %parallel_loop3A_182 = arith.addf %parallel_loop3A_178, %parallel_loop3A_181 : vector<16xf32>
      %parallel_loop3A_183 = arith.constant true
      %parallel_loop3A_184 = vector.broadcast %parallel_loop3A_183 : i1 to vector<16xi1>
      %parallel_loop3A_185 = tpu.scan <sum>, %parallel_loop3A_182 masked %parallel_loop3A_184 : vector<16xf32>, vector<16xi1> -> vector<16xf32>
      %parallel_loop3A_186 = arith.constant 128 : i32
      %parallel_loop3A_187 = arith.addi %parallel_loop3A_186, %parallel_loop3A_119 : i32
      %parallel_loop3A_188 = arith.index_cast %parallel_loop3A_187 : i32 to index
      %parallel_loop3A_189 = tpu.vector_load %arg13[%parallel_loop3A_188] masked %eq3A_66 {strides = array<i32>} : memref<528xf32, #tpu.memory_space<vmem>>, vector<16xf32>, vector<16xi1>
      tpu.vector_store %arg13[%parallel_loop3A_188], %parallel_loop3A_185 masked %eq3A_66 {strides = array<i32>} : memref<528xf32, #tpu.memory_space<vmem>>, vector<16xf32>, vector<16xi1>
    } {sc.loop_unroll_factor = 2 : i64, sc.parallel_access}
    %dma_start3A_70 = arith.constant 384 : i32
    %dma_start3A_71 = tpu.memref_slice %arg7[%dma_start3A_70] : memref<512xi32, #tpu.memory_space<vmem>> -> memref<128xi32, #tpu.memory_space<vmem>>
    %dma_start3A_72 = arith.constant 0 : i32
    %dma_start3A_73 = arith.constant 0 : i32
    %dma_start3A_74 = tpu.memref_slice %arg4[%dma_start3A_72, %dma_start3A_73] : memref<100000x128xf32, #tpu.memory_space<hbm>> -> memref<100000x128xf32, #tpu.memory_space<hbm>>
    tpu.enqueue_indirect_dma source(%dma_start3A_74 : memref<100000x128xf32, #tpu.memory_space<hbm>>) target(%arg10 : memref<128x128xf32, #tpu.memory_space<vmem>>) offsets(%dma_start3A_71 : memref<128xi32, #tpu.memory_space<vmem>>) semaphore(%arg15 : memref<!tpu.dma_semaphore, #tpu.memory_space<semaphore_mem>>)
    %dma_start3A_75 = arith.constant 384 : i32
    %dma_start3A_76 = tpu.memref_slice %arg8[%dma_start3A_75] : memref<512xi32, #tpu.memory_space<vmem>> -> memref<128xi32, #tpu.memory_space<vmem>>
    %dma_start3A_77 = arith.constant 0 : i32
    %dma_start3A_78 = arith.constant 0 : i32
    %dma_start3A_79 = tpu.memref_slice %arg5[%dma_start3A_77, %dma_start3A_78] : memref<100000x128xf32, #tpu.memory_space<hbm>> -> memref<100000x128xf32, #tpu.memory_space<hbm>>
    tpu.enqueue_indirect_dma source(%dma_start3A_79 : memref<100000x128xf32, #tpu.memory_space<hbm>>) target(%arg12 : memref<128x128xf32, #tpu.memory_space<vmem>>) offsets(%dma_start3A_76 : memref<128xi32, #tpu.memory_space<vmem>>) semaphore(%arg15 : memref<!tpu.dma_semaphore, #tpu.memory_space<semaphore_mem>>)
    %dma_wait3A_80 = arith.constant 256 : i32
    %dma_wait3A_81 = tpu.memref_slice %arg7[%dma_wait3A_80] : memref<512xi32, #tpu.memory_space<vmem>> -> memref<128xi32, #tpu.memory_space<vmem>>
    %dma_wait3A_82 = arith.constant 0 : i32
    %dma_wait3A_83 = arith.constant 0 : i32
    %dma_wait3A_84 = tpu.memref_slice %arg4[%dma_wait3A_82, %dma_wait3A_83] : memref<100000x128xf32, #tpu.memory_space<hbm>> -> memref<100000x128xf32, #tpu.memory_space<hbm>>
    tpu.wait_indirect_dma semaphore(%arg14 : memref<!tpu.dma_semaphore, #tpu.memory_space<semaphore_mem>>) src(%dma_wait3A_84 : memref<100000x128xf32, #tpu.memory_space<hbm>>) dst(%arg9 : memref<128x128xf32, #tpu.memory_space<vmem>>)
    %dma_wait3A_85 = arith.constant 256 : i32
    %dma_wait3A_86 = tpu.memref_slice %arg8[%dma_wait3A_85] : memref<512xi32, #tpu.memory_space<vmem>> -> memref<128xi32, #tpu.memory_space<vmem>>
    %dma_wait3A_87 = arith.constant 0 : i32
    %dma_wait3A_88 = arith.constant 0 : i32
    %dma_wait3A_89 = tpu.memref_slice %arg5[%dma_wait3A_87, %dma_wait3A_88] : memref<100000x128xf32, #tpu.memory_space<hbm>> -> memref<100000x128xf32, #tpu.memory_space<hbm>>
    tpu.wait_indirect_dma semaphore(%arg14 : memref<!tpu.dma_semaphore, #tpu.memory_space<semaphore_mem>>) src(%dma_wait3A_89 : memref<100000x128xf32, #tpu.memory_space<hbm>>) dst(%arg11 : memref<128x128xf32, #tpu.memory_space<vmem>>)
    %iota3A_90 = tpu.iota {dimensions = array<i32: 0>} : vector<16xi32>
    %eq3A_91 = arith.constant 15 : i32
    %eq3A_92 = vector.broadcast %eq3A_91 : i32 to vector<16xi32>
    %eq3A_93 = arith.cmpi eq, %iota3A_90, %eq3A_92 : vector<16xi32>
    %parallel_loop3A_94 = arith.constant 0 : i32
    %parallel_loop3A_95 = arith.constant 128 : i32
    %parallel_loop3A_96 = arith.constant 1 : i32
    scf.for %parallel_loop3A_117 = %parallel_loop3A_94 to %parallel_loop3A_95 step %parallel_loop3A_96  : i32 {
      %parallel_loop3A_118 = arith.constant 0 : i32
      %parallel_loop3A_119 = arith.addi %parallel_loop3A_117, %parallel_loop3A_118 : i32
      %parallel_loop3A_120 = arith.index_cast %parallel_loop3A_119 : i32 to index
      %parallel_loop3A_121 = arith.constant 0 : index
      %parallel_loop3A_122 = tpu.vector_load %arg9[%parallel_loop3A_120, %parallel_loop3A_121] {strides = array<i32>} : memref<128x128xf32, #tpu.memory_space<vmem>>, vector<16xf32>,
      %parallel_loop3A_123 = arith.index_cast %parallel_loop3A_119 : i32 to index
      %parallel_loop3A_124 = arith.constant 0 : index
      %parallel_loop3A_125 = tpu.vector_load %arg11[%parallel_loop3A_123, %parallel_loop3A_124] {strides = array<i32>} : memref<128x128xf32, #tpu.memory_space<vmem>>, vector<16xf32>,
      %parallel_loop3A_126 = arith.mulf %parallel_loop3A_122, %parallel_loop3A_125 : vector<16xf32>
      %parallel_loop3A_127 = arith.index_cast %parallel_loop3A_119 : i32 to index
      %parallel_loop3A_128 = arith.constant 16 : index
      %parallel_loop3A_129 = tpu.vector_load %arg9[%parallel_loop3A_127, %parallel_loop3A_128] {strides = array<i32>} : memref<128x128xf32, #tpu.memory_space<vmem>>, vector<16xf32>,
      %parallel_loop3A_130 = arith.index_cast %parallel_loop3A_119 : i32 to index
      %parallel_loop3A_131 = arith.constant 16 : index
      %parallel_loop3A_132 = tpu.vector_load %arg11[%parallel_loop3A_130, %parallel_loop3A_131] {strides = array<i32>} : memref<128x128xf32, #tpu.memory_space<vmem>>, vector<16xf32>,
      %parallel_loop3A_133 = arith.mulf %parallel_loop3A_129, %parallel_loop3A_132 : vector<16xf32>
      %parallel_loop3A_134 = arith.index_cast %parallel_loop3A_119 : i32 to index
      %parallel_loop3A_135 = arith.constant 32 : index
      %parallel_loop3A_136 = tpu.vector_load %arg9[%parallel_loop3A_134, %parallel_loop3A_135] {strides = array<i32>} : memref<128x128xf32, #tpu.memory_space<vmem>>, vector<16xf32>,
      %parallel_loop3A_137 = arith.index_cast %parallel_loop3A_119 : i32 to index
      %parallel_loop3A_138 = arith.constant 32 : index
      %parallel_loop3A_139 = tpu.vector_load %arg11[%parallel_loop3A_137, %parallel_loop3A_138] {strides = array<i32>} : memref<128x128xf32, #tpu.memory_space<vmem>>, vector<16xf32>,
      %parallel_loop3A_140 = arith.mulf %parallel_loop3A_136, %parallel_loop3A_139 : vector<16xf32>
      %parallel_loop3A_141 = arith.index_cast %parallel_loop3A_119 : i32 to index
      %parallel_loop3A_142 = arith.constant 48 : index
      %parallel_loop3A_143 = tpu.vector_load %arg9[%parallel_loop3A_141, %parallel_loop3A_142] {strides = array<i32>} : memref<128x128xf32, #tpu.memory_space<vmem>>, vector<16xf32>,
      %parallel_loop3A_144 = arith.index_cast %parallel_loop3A_119 : i32 to index
      %parallel_loop3A_145 = arith.constant 48 : index
      %parallel_loop3A_146 = tpu.vector_load %arg11[%parallel_loop3A_144, %parallel_loop3A_145] {strides = array<i32>} : memref<128x128xf32, #tpu.memory_space<vmem>>, vector<16xf32>,
      %parallel_loop3A_147 = arith.mulf %parallel_loop3A_143, %parallel_loop3A_146 : vector<16xf32>
      %parallel_loop3A_148 = arith.index_cast %parallel_loop3A_119 : i32 to index
      %parallel_loop3A_149 = arith.constant 64 : index
      %parallel_loop3A_150 = tpu.vector_load %arg9[%parallel_loop3A_148, %parallel_loop3A_149] {strides = array<i32>} : memref<128x128xf32, #tpu.memory_space<vmem>>, vector<16xf32>,
      %parallel_loop3A_151 = arith.index_cast %parallel_loop3A_119 : i32 to index
      %parallel_loop3A_152 = arith.constant 64 : index
      %parallel_loop3A_153 = tpu.vector_load %arg11[%parallel_loop3A_151, %parallel_loop3A_152] {strides = array<i32>} : memref<128x128xf32, #tpu.memory_space<vmem>>, vector<16xf32>,
      %parallel_loop3A_154 = arith.mulf %parallel_loop3A_150, %parallel_loop3A_153 : vector<16xf32>
      %parallel_loop3A_155 = arith.index_cast %parallel_loop3A_119 : i32 to index
      %parallel_loop3A_156 = arith.constant 80 : index
      %parallel_loop3A_157 = tpu.vector_load %arg9[%parallel_loop3A_155, %parallel_loop3A_156] {strides = array<i32>} : memref<128x128xf32, #tpu.memory_space<vmem>>, vector<16xf32>,
      %parallel_loop3A_158 = arith.index_cast %parallel_loop3A_119 : i32 to index
      %parallel_loop3A_159 = arith.constant 80 : index
      %parallel_loop3A_160 = tpu.vector_load %arg11[%parallel_loop3A_158, %parallel_loop3A_159] {strides = array<i32>} : memref<128x128xf32, #tpu.memory_space<vmem>>, vector<16xf32>,
      %parallel_loop3A_161 = arith.mulf %parallel_loop3A_157, %parallel_loop3A_160 : vector<16xf32>
      %parallel_loop3A_162 = arith.index_cast %parallel_loop3A_119 : i32 to index
      %parallel_loop3A_163 = arith.constant 96 : index
      %parallel_loop3A_164 = tpu.vector_load %arg9[%parallel_loop3A_162, %parallel_loop3A_163] {strides = array<i32>} : memref<128x128xf32, #tpu.memory_space<vmem>>, vector<16xf32>,
      %parallel_loop3A_165 = arith.index_cast %parallel_loop3A_119 : i32 to index
      %parallel_loop3A_166 = arith.constant 96 : index
      %parallel_loop3A_167 = tpu.vector_load %arg11[%parallel_loop3A_165, %parallel_loop3A_166] {strides = array<i32>} : memref<128x128xf32, #tpu.memory_space<vmem>>, vector<16xf32>,
      %parallel_loop3A_168 = arith.mulf %parallel_loop3A_164, %parallel_loop3A_167 : vector<16xf32>
      %parallel_loop3A_169 = arith.index_cast %parallel_loop3A_119 : i32 to index
      %parallel_loop3A_170 = arith.constant 112 : index
      %parallel_loop3A_171 = tpu.vector_load %arg9[%parallel_loop3A_169, %parallel_loop3A_170] {strides = array<i32>} : memref<128x128xf32, #tpu.memory_space<vmem>>, vector<16xf32>,
      %parallel_loop3A_172 = arith.index_cast %parallel_loop3A_119 : i32 to index
      %parallel_loop3A_173 = arith.constant 112 : index
      %parallel_loop3A_174 = tpu.vector_load %arg11[%parallel_loop3A_172, %parallel_loop3A_173] {strides = array<i32>} : memref<128x128xf32, #tpu.memory_space<vmem>>, vector<16xf32>,
      %parallel_loop3A_175 = arith.mulf %parallel_loop3A_171, %parallel_loop3A_174 : vector<16xf32>
      %parallel_loop3A_176 = arith.addf %parallel_loop3A_126, %parallel_loop3A_133 : vector<16xf32>
      %parallel_loop3A_177 = arith.addf %parallel_loop3A_140, %parallel_loop3A_147 : vector<16xf32>
      %parallel_loop3A_178 = arith.addf %parallel_loop3A_176, %parallel_loop3A_177 : vector<16xf32>
      %parallel_loop3A_179 = arith.addf %parallel_loop3A_154, %parallel_loop3A_161 : vector<16xf32>
      %parallel_loop3A_180 = arith.addf %parallel_loop3A_168, %parallel_loop3A_175 : vector<16xf32>
      %parallel_loop3A_181 = arith.addf %parallel_loop3A_179, %parallel_loop3A_180 : vector<16xf32>
      %parallel_loop3A_182 = arith.addf %parallel_loop3A_178, %parallel_loop3A_181 : vector<16xf32>
      %parallel_loop3A_183 = arith.constant true
      %parallel_loop3A_184 = vector.broadcast %parallel_loop3A_183 : i1 to vector<16xi1>
      %parallel_loop3A_185 = tpu.scan <sum>, %parallel_loop3A_182 masked %parallel_loop3A_184 : vector<16xf32>, vector<16xi1> -> vector<16xf32>
      %parallel_loop3A_186 = arith.constant 256 : i32
      %parallel_loop3A_187 = arith.addi %parallel_loop3A_186, %parallel_loop3A_119 : i32
      %parallel_loop3A_188 = arith.index_cast %parallel_loop3A_187 : i32 to index
      %parallel_loop3A_189 = tpu.vector_load %arg13[%parallel_loop3A_188] masked %eq3A_93 {strides = array<i32>} : memref<528xf32, #tpu.memory_space<vmem>>, vector<16xf32>, vector<16xi1>
      tpu.vector_store %arg13[%parallel_loop3A_188], %parallel_loop3A_185 masked %eq3A_93 {strides = array<i32>} : memref<528xf32, #tpu.memory_space<vmem>>, vector<16xf32>, vector<16xi1>
    } {sc.loop_unroll_factor = 2 : i64, sc.parallel_access}
    %dma_wait3A_97 = arith.constant 384 : i32
    %dma_wait3A_98 = tpu.memref_slice %arg7[%dma_wait3A_97] : memref<512xi32, #tpu.memory_space<vmem>> -> memref<128xi32, #tpu.memory_space<vmem>>
    %dma_wait3A_99 = arith.constant 0 : i32
    %dma_wait3A_100 = arith.constant 0 : i32
    %dma_wait3A_101 = tpu.memref_slice %arg4[%dma_wait3A_99, %dma_wait3A_100] : memref<100000x128xf32, #tpu.memory_space<hbm>> -> memref<100000x128xf32, #tpu.memory_space<hbm>>
    tpu.wait_indirect_dma semaphore(%arg15 : memref<!tpu.dma_semaphore, #tpu.memory_space<semaphore_mem>>) src(%dma_wait3A_101 : memref<100000x128xf32, #tpu.memory_space<hbm>>) dst(%arg10 : memref<128x128xf32, #tpu.memory_space<vmem>>)
    %dma_wait3A_102 = arith.constant 384 : i32
    %dma_wait3A_103 = tpu.memref_slice %arg8[%dma_wait3A_102] : memref<512xi32, #tpu.memory_space<vmem>> -> memref<128xi32, #tpu.memory_space<vmem>>
    %dma_wait3A_104 = arith.constant 0 : i32
    %dma_wait3A_105 = arith.constant 0 : i32
    %dma_wait3A_106 = tpu.memref_slice %arg5[%dma_wait3A_104, %dma_wait3A_105] : memref<100000x128xf32, #tpu.memory_space<hbm>> -> memref<100000x128xf32, #tpu.memory_space<hbm>>
    tpu.wait_indirect_dma semaphore(%arg15 : memref<!tpu.dma_semaphore, #tpu.memory_space<semaphore_mem>>) src(%dma_wait3A_106 : memref<100000x128xf32, #tpu.memory_space<hbm>>) dst(%arg12 : memref<128x128xf32, #tpu.memory_space<vmem>>)
    %iota3A_107 = tpu.iota {dimensions = array<i32: 0>} : vector<16xi32>
    %eq3A_108 = arith.constant 15 : i32
    %eq3A_109 = vector.broadcast %eq3A_108 : i32 to vector<16xi32>
    %eq3A_110 = arith.cmpi eq, %iota3A_107, %eq3A_109 : vector<16xi32>
    %parallel_loop3A_111 = arith.constant 0 : i32
    %parallel_loop3A_112 = arith.constant 128 : i32
    %parallel_loop3A_113 = arith.constant 1 : i32
    scf.for %parallel_loop3A_117 = %parallel_loop3A_111 to %parallel_loop3A_112 step %parallel_loop3A_113  : i32 {
      %parallel_loop3A_118 = arith.constant 0 : i32
      %parallel_loop3A_119 = arith.addi %parallel_loop3A_117, %parallel_loop3A_118 : i32
      %parallel_loop3A_120 = arith.index_cast %parallel_loop3A_119 : i32 to index
      %parallel_loop3A_121 = arith.constant 0 : index
      %parallel_loop3A_122 = tpu.vector_load %arg10[%parallel_loop3A_120, %parallel_loop3A_121] {strides = array<i32>} : memref<128x128xf32, #tpu.memory_space<vmem>>, vector<16xf32>,
      %parallel_loop3A_123 = arith.index_cast %parallel_loop3A_119 : i32 to index
      %parallel_loop3A_124 = arith.constant 0 : index
      %parallel_loop3A_125 = tpu.vector_load %arg12[%parallel_loop3A_123, %parallel_loop3A_124] {strides = array<i32>} : memref<128x128xf32, #tpu.memory_space<vmem>>, vector<16xf32>,
      %parallel_loop3A_126 = arith.mulf %parallel_loop3A_122, %parallel_loop3A_125 : vector<16xf32>
      %parallel_loop3A_127 = arith.index_cast %parallel_loop3A_119 : i32 to index
      %parallel_loop3A_128 = arith.constant 16 : index
      %parallel_loop3A_129 = tpu.vector_load %arg10[%parallel_loop3A_127, %parallel_loop3A_128] {strides = array<i32>} : memref<128x128xf32, #tpu.memory_space<vmem>>, vector<16xf32>,
      %parallel_loop3A_130 = arith.index_cast %parallel_loop3A_119 : i32 to index
      %parallel_loop3A_131 = arith.constant 16 : index
      %parallel_loop3A_132 = tpu.vector_load %arg12[%parallel_loop3A_130, %parallel_loop3A_131] {strides = array<i32>} : memref<128x128xf32, #tpu.memory_space<vmem>>, vector<16xf32>,
      %parallel_loop3A_133 = arith.mulf %parallel_loop3A_129, %parallel_loop3A_132 : vector<16xf32>
      %parallel_loop3A_134 = arith.index_cast %parallel_loop3A_119 : i32 to index
      %parallel_loop3A_135 = arith.constant 32 : index
      %parallel_loop3A_136 = tpu.vector_load %arg10[%parallel_loop3A_134, %parallel_loop3A_135] {strides = array<i32>} : memref<128x128xf32, #tpu.memory_space<vmem>>, vector<16xf32>,
      %parallel_loop3A_137 = arith.index_cast %parallel_loop3A_119 : i32 to index
      %parallel_loop3A_138 = arith.constant 32 : index
      %parallel_loop3A_139 = tpu.vector_load %arg12[%parallel_loop3A_137, %parallel_loop3A_138] {strides = array<i32>} : memref<128x128xf32, #tpu.memory_space<vmem>>, vector<16xf32>,
      %parallel_loop3A_140 = arith.mulf %parallel_loop3A_136, %parallel_loop3A_139 : vector<16xf32>
      %parallel_loop3A_141 = arith.index_cast %parallel_loop3A_119 : i32 to index
      %parallel_loop3A_142 = arith.constant 48 : index
      %parallel_loop3A_143 = tpu.vector_load %arg10[%parallel_loop3A_141, %parallel_loop3A_142] {strides = array<i32>} : memref<128x128xf32, #tpu.memory_space<vmem>>, vector<16xf32>,
      %parallel_loop3A_144 = arith.index_cast %parallel_loop3A_119 : i32 to index
      %parallel_loop3A_145 = arith.constant 48 : index
      %parallel_loop3A_146 = tpu.vector_load %arg12[%parallel_loop3A_144, %parallel_loop3A_145] {strides = array<i32>} : memref<128x128xf32, #tpu.memory_space<vmem>>, vector<16xf32>,
      %parallel_loop3A_147 = arith.mulf %parallel_loop3A_143, %parallel_loop3A_146 : vector<16xf32>
      %parallel_loop3A_148 = arith.index_cast %parallel_loop3A_119 : i32 to index
      %parallel_loop3A_149 = arith.constant 64 : index
      %parallel_loop3A_150 = tpu.vector_load %arg10[%parallel_loop3A_148, %parallel_loop3A_149] {strides = array<i32>} : memref<128x128xf32, #tpu.memory_space<vmem>>, vector<16xf32>,
      %parallel_loop3A_151 = arith.index_cast %parallel_loop3A_119 : i32 to index
      %parallel_loop3A_152 = arith.constant 64 : index
      %parallel_loop3A_153 = tpu.vector_load %arg12[%parallel_loop3A_151, %parallel_loop3A_152] {strides = array<i32>} : memref<128x128xf32, #tpu.memory_space<vmem>>, vector<16xf32>,
      %parallel_loop3A_154 = arith.mulf %parallel_loop3A_150, %parallel_loop3A_153 : vector<16xf32>
      %parallel_loop3A_155 = arith.index_cast %parallel_loop3A_119 : i32 to index
      %parallel_loop3A_156 = arith.constant 80 : index
      %parallel_loop3A_157 = tpu.vector_load %arg10[%parallel_loop3A_155, %parallel_loop3A_156] {strides = array<i32>} : memref<128x128xf32, #tpu.memory_space<vmem>>, vector<16xf32>,
      %parallel_loop3A_158 = arith.index_cast %parallel_loop3A_119 : i32 to index
      %parallel_loop3A_159 = arith.constant 80 : index
      %parallel_loop3A_160 = tpu.vector_load %arg12[%parallel_loop3A_158, %parallel_loop3A_159] {strides = array<i32>} : memref<128x128xf32, #tpu.memory_space<vmem>>, vector<16xf32>,
      %parallel_loop3A_161 = arith.mulf %parallel_loop3A_157, %parallel_loop3A_160 : vector<16xf32>
      %parallel_loop3A_162 = arith.index_cast %parallel_loop3A_119 : i32 to index
      %parallel_loop3A_163 = arith.constant 96 : index
      %parallel_loop3A_164 = tpu.vector_load %arg10[%parallel_loop3A_162, %parallel_loop3A_163] {strides = array<i32>} : memref<128x128xf32, #tpu.memory_space<vmem>>, vector<16xf32>,
      %parallel_loop3A_165 = arith.index_cast %parallel_loop3A_119 : i32 to index
      %parallel_loop3A_166 = arith.constant 96 : index
      %parallel_loop3A_167 = tpu.vector_load %arg12[%parallel_loop3A_165, %parallel_loop3A_166] {strides = array<i32>} : memref<128x128xf32, #tpu.memory_space<vmem>>, vector<16xf32>,
      %parallel_loop3A_168 = arith.mulf %parallel_loop3A_164, %parallel_loop3A_167 : vector<16xf32>
      %parallel_loop3A_169 = arith.index_cast %parallel_loop3A_119 : i32 to index
      %parallel_loop3A_170 = arith.constant 112 : index
      %parallel_loop3A_171 = tpu.vector_load %arg10[%parallel_loop3A_169, %parallel_loop3A_170] {strides = array<i32>} : memref<128x128xf32, #tpu.memory_space<vmem>>, vector<16xf32>,
      %parallel_loop3A_172 = arith.index_cast %parallel_loop3A_119 : i32 to index
      %parallel_loop3A_173 = arith.constant 112 : index
      %parallel_loop3A_174 = tpu.vector_load %arg12[%parallel_loop3A_172, %parallel_loop3A_173] {strides = array<i32>} : memref<128x128xf32, #tpu.memory_space<vmem>>, vector<16xf32>,
      %parallel_loop3A_175 = arith.mulf %parallel_loop3A_171, %parallel_loop3A_174 : vector<16xf32>
      %parallel_loop3A_176 = arith.addf %parallel_loop3A_126, %parallel_loop3A_133 : vector<16xf32>
      %parallel_loop3A_177 = arith.addf %parallel_loop3A_140, %parallel_loop3A_147 : vector<16xf32>
      %parallel_loop3A_178 = arith.addf %parallel_loop3A_176, %parallel_loop3A_177 : vector<16xf32>
      %parallel_loop3A_179 = arith.addf %parallel_loop3A_154, %parallel_loop3A_161 : vector<16xf32>
      %parallel_loop3A_180 = arith.addf %parallel_loop3A_168, %parallel_loop3A_175 : vector<16xf32>
      %parallel_loop3A_181 = arith.addf %parallel_loop3A_179, %parallel_loop3A_180 : vector<16xf32>
      %parallel_loop3A_182 = arith.addf %parallel_loop3A_178, %parallel_loop3A_181 : vector<16xf32>
      %parallel_loop3A_183 = arith.constant true
      %parallel_loop3A_184 = vector.broadcast %parallel_loop3A_183 : i1 to vector<16xi1>
      %parallel_loop3A_185 = tpu.scan <sum>, %parallel_loop3A_182 masked %parallel_loop3A_184 : vector<16xf32>, vector<16xi1> -> vector<16xf32>
      %parallel_loop3A_186 = arith.constant 384 : i32
      %parallel_loop3A_187 = arith.addi %parallel_loop3A_186, %parallel_loop3A_119 : i32
      %parallel_loop3A_188 = arith.index_cast %parallel_loop3A_187 : i32 to index
      %parallel_loop3A_189 = tpu.vector_load %arg13[%parallel_loop3A_188] masked %eq3A_110 {strides = array<i32>} : memref<528xf32, #tpu.memory_space<vmem>>, vector<16xf32>, vector<16xi1>
      tpu.vector_store %arg13[%parallel_loop3A_188], %parallel_loop3A_185 masked %eq3A_110 {strides = array<i32>} : memref<528xf32, #tpu.memory_space<vmem>>, vector<16xf32>, vector<16xi1>
    } {sc.loop_unroll_factor = 2 : i64, sc.parallel_access}
    %parallel_loop3A_114 = arith.constant 0 : i32
    %parallel_loop3A_115 = arith.constant 32 : i32
    %parallel_loop3A_116 = arith.constant 1 : i32
    scf.for %parallel_loop3A_117 = %parallel_loop3A_114 to %parallel_loop3A_115 step %parallel_loop3A_116  : i32 {
      %parallel_loop3A_118 = arith.constant 16 : i32
      %parallel_loop3A_119 = arith.muli %parallel_loop3A_117, %parallel_loop3A_118 : i32
      %parallel_loop3A_120 = arith.index_cast %parallel_loop3A_119 : i32 to index
      %parallel_loop3A_121 = tpu.vector_load %arg13[%parallel_loop3A_120] {strides = array<i32>} : memref<528xf32, #tpu.memory_space<vmem>>, vector<16xf32>,
      %parallel_loop3A_122 = arith.constant 0.000000e+00 : f32
      %parallel_loop3A_123 = vector.broadcast %parallel_loop3A_122 : f32 to vector<16xf32>
      %parallel_loop3A_124 = arith.subf %parallel_loop3A_123, %parallel_loop3A_121 : vector<16xf32>
      %parallel_loop3A_125 = math.exp %parallel_loop3A_124 : vector<16xf32>
      %parallel_loop3A_126 = arith.constant 1.000000e+00 : f32
      %parallel_loop3A_127 = vector.broadcast %parallel_loop3A_126 : f32 to vector<16xf32>
      %parallel_loop3A_128 = arith.addf %parallel_loop3A_127, %parallel_loop3A_125 : vector<16xf32>
      %parallel_loop3A_129 = arith.constant 1.000000e+00 : f32
      %parallel_loop3A_130 = vector.broadcast %parallel_loop3A_129 : f32 to vector<16xf32>
      %parallel_loop3A_131 = arith.divf %parallel_loop3A_130, %parallel_loop3A_128 : vector<16xf32>
      %parallel_loop3A_132 = arith.constant 16 : i32
      %parallel_loop3A_133 = arith.muli %parallel_loop3A_117, %parallel_loop3A_132 : i32
      %parallel_loop3A_134 = arith.index_cast %parallel_loop3A_133 : i32 to index
      %parallel_loop3A_135 = tpu.vector_load %arg13[%parallel_loop3A_134] {strides = array<i32>} : memref<528xf32, #tpu.memory_space<vmem>>, vector<16xf32>,
      tpu.vector_store %arg13[%parallel_loop3A_134], %parallel_loop3A_131 {strides = array<i32>} : memref<528xf32, #tpu.memory_space<vmem>>, vector<16xf32>,
    } {sc.loop_unroll_factor = 4 : i64, sc.parallel_access}
    "tpu.region"() ({
      %run_scoped3A = tpu.sem_alloc : memref<!tpu.dma_semaphore, #tpu.memory_space<semaphore_mem>>
      %dma_start3A_117 = arith.constant 0 : i32
      %dma_start3A_118 = tpu.memref_slice %arg13[%dma_start3A_117] : memref<528xf32, #tpu.memory_space<vmem>> -> memref<512xf32, #tpu.memory_space<vmem>>
      %dma_start3A_119 = tpu.memref_slice %arg6[%mul3A_2] : memref<16384xf32, #tpu.memory_space<hbm>> -> memref<512xf32, #tpu.memory_space<hbm>>
      %dma_start3A_120 = tpu.memref_slice %arg6[%mul3A_2] : memref<16384xf32, #tpu.memory_space<hbm>> -> memref<512xf32, #tpu.memory_space<hbm>>
      %dma_start3A_121 = arith.constant 0 : i32
      %dma_start3A_122 = tpu.memref_slice %arg13[%dma_start3A_121] : memref<528xf32, #tpu.memory_space<vmem>> -> memref<512xf32, #tpu.memory_space<vmem>>
      tpu.enqueue_dma source(%dma_start3A_122 : memref<512xf32, #tpu.memory_space<vmem>>) target(%dma_start3A_120 : memref<512xf32, #tpu.memory_space<hbm>>) target_semaphore(%run_scoped3A : memref<!tpu.dma_semaphore, #tpu.memory_space<semaphore_mem>>)
      %dma_wait3A_123 = arith.constant 0 : i32
      %dma_wait3A_124 = tpu.memref_slice %arg13[%dma_wait3A_123] : memref<528xf32, #tpu.memory_space<vmem>> -> memref<512xf32, #tpu.memory_space<vmem>>
      %dma_wait3A_125 = tpu.memref_slice %arg6[%mul3A_2] : memref<16384xf32, #tpu.memory_space<hbm>> -> memref<512xf32, #tpu.memory_space<hbm>>
      %dma_wait3A_126 = tpu.memref_slice %arg6[%mul3A_2] : memref<16384xf32, #tpu.memory_space<hbm>> -> memref<512xf32, #tpu.memory_space<hbm>>
      %dma_wait3A_127 = arith.constant 0 : i32
      %dma_wait3A_128 = tpu.memref_slice %arg13[%dma_wait3A_127] : memref<528xf32, #tpu.memory_space<vmem>> -> memref<512xf32, #tpu.memory_space<vmem>>
      tpu.wait_dma2 semaphore(%run_scoped3A : memref<!tpu.dma_semaphore, #tpu.memory_space<semaphore_mem>>) src(%dma_wait3A_128 : memref<512xf32, #tpu.memory_space<vmem>>) dst(%dma_wait3A_126 : memref<512xf32, #tpu.memory_space<hbm>>)
      tpu.yield
    }) : () -> ()
    return
  }
}

</mosaic_0001>

<sc_bundles>
// kernel: kernel.3.cloned.1.call-start
scs
__scs_entry_jumppad:
0x0: {  	(pc) =	sbr.rel $0x88, $3  }
0x1: {  	(tag) =	ssettag $0x0;
	lr =	simm.s32 $0x1  }
0x2: {  	[smem:$0x3F9D] =	sst lr;
	_ =	strace $0xD0000000  }
0x3: {  	_ = 	snop  }
0x4: {  	_ = 	snop  }
0x5: {  	_ = 	snop  }
0x6: {  	_ = 	snop  }
0x7: {  	_ = 	snop  }
__scs_overlays_trampoline_lowered:
0x8: {  	[smem:$0x3FAC] =	sst s0  }
0x9: {  	[smem:$0x3FAD] =	sst s1  }
0xa: {  	[smem:$0x3FAE] =	sst s2  }
0xb: {  	[smem:$0x3FAF] =	sst s3  }
0xc: {  	[smem:$0x3FB0] =	sst s4  }
0xd: {  	[smem:$0x3FB1] =	sst s5  }
0xe: {  	[smem:$0x3FB2] =	sst s6  }
0xf: {  	[smem:$0x3FB3] =	sst s7  }
0x10: {  	[smem:$0x3FB4] =	sst s8  }
0x11: {  	[smem:$0x3FB5] =	sst s9;
	s0 =	simm.s32 @!p0 $0x0  }
0x12: {  	s1 =	sld [smem:$0x3F9B];
	s0 =	simm.s32 @p0 $0x1  }
0x13: {  	[smem:$0x3FB6] =	sst s0;
	s0 =	simm.s32 @!p1 $0x0  }
0x14: {  	s2 =	sld [smem:$0x3F9A];
	s0 =	simm.s32 @p1 $0x1  }
0x15: {  	[smem:$0x3FB7] =	sst s0;
	s0 =	simm.s32 @!p2 $0x0  }
0x16: {  	s3 =	sld [smem:$0x3FDB];
	s0 =	simm.s32 @p2 $0x1  }
0x17: {  	s4 =	simm.s32 $0x1BF5;
	[smem:$0x3FB9] =	sst s0  }
0x18: {  	s0 =	sld [smem:$0x3F9C];
	_ =	swait.ge [sflag:s4], $0x0  }
0x19: {  	s7 =	sld [smem:$0x3F9D]  }
0x1a: {  	s8 =	sadd.s32 $0xFFFFE003, lr  }
0x1b: {  	s9 =	sadd.s32 $0xFFFFFEF7, lr;
	s5 =	simm.s32 $0xFFFFFFFF;
	p2 =	slt.u32 s8, $0xFFFFF086  }
0x1c: {  	p1 =	slt.u32 s9, $0xF7A;
	s5 =	simm.s32 @!p2 $0x0  }
0x1d: {  	s5 =	simm.s32 @p1 $0x1;
	p0 =	seq.s32 s7, s2  }
0x1e: {  	s7 =	smul.u32 @!p0 $0xF7A, s2;
	p2 =	seq.s32 @!p0 s5, $0x0  }
0x1f: {  	s9 =	smul.u32 $0xF7A, s1;
	s8 =	simm.s32 @!p0 $0x1BF5;
	p2 =	por !p2, p0  }
0x20: {  	[sflag:s8] =	ssyncset.s32 @!p0 $0xFFFFF086;
	s6 =	sadd.s32 @!p0 s3, s7;
	s7 =	simm.s32 @!p0 $0x108  }
0x21: {  	s3 =	sadd.s32 s3, s9;
	s6 =	sadd.s32 @!p0 $0x88, s6;
	s7 =	simm.s32 @p2 $0x1082  }
0x22: {  	[simem:s7], [sflag:s8] =	dma.local @!p0 [hbm:s6], $0xF7A  }
0x23: {  	s9 =	sor.u32 $0xD0000000, s2;
	s6 =	simm.s32 $0x108;
	_ =	swait.ge @!p0 [sflag:s8], $0x0  }
0x24: {  	s3 =	sadd.s32 $0x88, s3;
	s6 =	simm.s32 @!p1 $0x1082;
	[sflag:s4] =	ssyncset.s32 $0xFFFFF086  }
0x25: {  	[simem:s6], [sflag:s4] =	dma.local [hbm:s3], $0xF7A  }
0x26: {  	[smem:$0x3F9D] =	sst s1;
	(tag) =	ssettag s2;
	_ =	strace s9  }
0x27: {  	s1 =	sld [smem:$0x3FAD]  }
0x28: {  	s2 =	sld [smem:$0x3FAE]  }
0x29: {  	s4 =	sld [smem:$0x3FB0]  }
0x2a: {  	p0 =	seq.s32 s5, $0x0;
	s5 =	sld [smem:$0x3FB1]  }
0x2b: {  	s6 =	sld [smem:$0x3FB2]  }
0x2c: {  	s7 =	sld [smem:$0x3FB3]  }
0x2d: {  	s3 =	simm.s32 $0x108;
	s8 =	sld [smem:$0x3FB4]  }
0x2e: {  	s3 =	simm.s32 @!p0 $0x1082;
	s9 =	sld [smem:$0x3FB5]  }
0x2f: {  	lr =	sadd.s32 s0, s3;
	s0 =	sld [smem:$0x3FAC]  }
0x30: {  	s3 =	sld [smem:$0x3FAF]  }
0x31: {  	[smem:$0x3FB8] =	sst s10  }
0x32: {  	s10 =	sld [smem:$0x3FB6];
	_ =	sdelay $0x3  }
0x33: {  	p0 =	seq.s32 s10, $0x1;
	s10 =	sld [smem:$0x3FB8];
	_ =	sdelay $0x3  }
0x34: {  	[smem:$0x3FB8] =	sst s10  }
0x35: {  	s10 =	sld [smem:$0x3FB7];
	_ =	sdelay $0x3  }
0x36: {  	p1 =	seq.s32 s10, $0x1;
	s10 =	sld [smem:$0x3FB8];
	_ =	sdelay $0x3  }
0x37: {  	[smem:$0x3FB8] =	sst s10  }
0x38: {  	s10 =	sld [smem:$0x3FB9]  }
0x39: {  	_ = 	snop;
	(pc) =	sbr.ind lr, $3  }
0x3a: {  	_ = 	snop  }
0x3b: {  	_ = 	snop  }
0x3c: {  	p2 =	seq.s32 s10, $0x1;
	s10 =	sld [smem:$0x3FB8]  }
0x3d: {  	_ =	shalt  }
0x3e: {  	_ =	shalt  }
0x3f: {  	_ =	shalt  }
0x40: {  	_ =	shalt  }
0x41: {  	_ =	shalt  }
0x42: {  	_ =	shalt  }
0x43: {  	_ =	shalt  }
0x44: {  	_ =	shalt  }
0x45: {  	_ =	shalt  }
0x46: {  	_ =	shalt  }
0x47: {  	_ =	shalt  }
0x48: {  	_ =	shalt  }
0x49: {  	_ =	shalt  }
0x4a: {  	_ =	shalt  }
0x4b: {  	_ =	shalt  }
0x4c: {  	_ =	shalt  }
0x4d: {  	_ =	shalt  }
0x4e: {  	_ =	shalt  }
0x4f: {  	_ =	shalt  }
0x50: {  	_ =	shalt  }
0x51: {  	_ =	shalt  }
0x52: {  	_ =	shalt  }
0x53: {  	_ =	shalt  }
0x54: {  	_ =	shalt  }
0x55: {  	_ =	shalt  }
0x56: {  	_ =	shalt  }
0x57: {  	_ =	shalt  }
0x58: {  	_ =	shalt  }
0x59: {  	_ =	shalt  }
0x5a: {  	_ =	shalt  }
0x5b: {  	_ =	shalt  }
0x5c: {  	_ =	shalt  }
0x5d: {  	_ =	shalt  }
0x5e: {  	_ =	shalt  }
0x5f: {  	_ =	shalt  }
0x60: {  	_ =	shalt  }
0x61: {  	_ =	shalt  }
0x62: {  	_ =	shalt  }
0x63: {  	_ =	shalt  }
0x64: {  	_ =	shalt  }
0x65: {  	_ =	shalt  }
0x66: {  	_ =	shalt  }
0x67: {  	_ =	shalt  }
0x68: {  	_ =	shalt  }
0x69: {  	_ =	shalt  }
0x6a: {  	_ =	shalt  }
0x6b: {  	_ =	shalt  }
0x6c: {  	_ =	shalt  }
0x6d: {  	_ =	shalt  }
0x6e: {  	_ =	shalt  }
0x6f: {  	_ =	shalt  }
0x70: {  	_ =	shalt  }
0x71: {  	_ =	shalt  }
0x72: {  	_ =	shalt  }
0x73: {  	_ =	shalt  }
0x74: {  	_ =	shalt  }
0x75: {  	_ =	shalt  }
0x76: {  	_ =	shalt  }
0x77: {  	_ =	shalt  }
0x78: {  	_ =	shalt  }
0x79: {  	_ =	shalt  }
0x7a: {  	_ =	shalt  }
0x7b: {  	_ =	shalt  }
0x7c: {  	_ =	shalt  }
0x7d: {  	_ =	shalt  }
0x7e: {  	_ =	shalt  }
0x7f: {  	_ =	shalt  }
0x80: {  	_ =	shalt  }
0x81: {  	_ =	shalt  }
0x82: {  	_ =	shalt  }
0x83: {  	_ =	shalt  }
0x84: {  	_ =	shalt  }
0x85: {  	_ =	shalt  }
0x86: {  	_ =	shalt  }
0x87: {  	_ =	shalt  }
.Lfunc_end0:
.L_simem_size_0:
called_computation_lowered:
.L_overlay_start_0:
0x88: {  	s2 =	sld [smem:$0x3FD9]  }
0x89: {  	s3 =	sld [smem:$0x3FFE];
	_ =	sdelay $0x1  }
0x8a: {  	s1 =	srdreg.scid  }
0x8b: {  	s0 =	sand.u32 $0x1, s1  }
0x8c: {  	s18 =	sshll.u32 s0, $0xA;
	s2 =	sadd.s32 s3, s2  }
0x8d: {  	s2 =	sadd.s32 s2, s18  }
0x8e: {  	[smem:$0x3FC4] =	sst s2  }
0x8f: {  	_ = 	snop  }
0x90: {  	s2 =	sld [smem:$0x3FC9]  }
0x91: {  	s19 =	sld [smem:$0x3FC8]  }
0x92: {  	s4 =	sld [smem:$0x3FC7]  }
0x93: {  	s5 =	sld [smem:$0x3FC6]  }
0x94: {  	s6 =	sld [smem:$0x3FD0];
	(tm) =	ssettm $0x1  }
0x95: {  	s7 =	sld [smem:$0x3FFB];
	_ =	sdelay $0x3  }
0x96: {  	_ =	strace s7  }
0x97: {  	s7 =	sld [smem:$0x3FFC];
	_ =	sdelay $0x3  }
0x98: {  	_ =	strace s7  }
0x99: {  	s7 =	sld [smem:$0x3FFD];
	_ =	sdelay $0x3  }
0x9a: {  	_ =	strace s7  }
0x9b: {  	_ =	strace $0x8FFFFFFF  }
0x9c: {  	s20 =	sld [smem:$0x3FDB];
	_ =	sdelay $0x1  }
0x9d: {  	s8 =	simm.s32 $_scs_section_size  }
0x9e: {  	s9 =	simm.s32 $_size__tile_overlayer_lowered;
	s10 =	simm.s32 $_tile_overlayer_lowered  }
0x9f: {  	s23 =	simm.s32 $0x1BFF;
	s22 =	sshll.u32 s10, $0x1;
	s7 =	sadd.s32 s8, s20  }
0xa0: {  	s11 =	simm.s32 $0x0;
	s21 =	sshll.u32 s9, $0x1;
	s9 =	sadd.s32 s22, s7  }
0xa1: {  	[timem:s11], [sflag:s23] =	dma.local [hbm:s9], s21  }
0xa2: {  	_ =	swait.ge [sflag:s23], s21  }
0xa3: {  	s8 =	ssub.s32 $0x0, s21;
	[sflag:s23] =	ssyncset.done $0x0  }
0xa4: {  	[sflag:s23] =	ssyncadd.s32 s8;
	_ =	sdelay $0x1  }
0xa5: {  	s24 =	simm.s32 $0x1B8B  }
0xa6: {  	_ =	swait.ge [sflag:s24], $0x1  }
0xa7: {  	[sflag:s24] =	ssyncset.done $0x0  }
0xa8: {  	s25 =	simm.s32 $0x1B8E;
	[sflag:s24] =	ssyncadd.s32 $0xFFFFFFFF  }
0xa9: {  	s26 =	simm.s32 $execute0_lowered;
	[smem:$0x3FD2] =	sst s25  }
0xaa: {  	s8 =	sshll.u32 s26, $0x1;
	_ =	strace $0x80000046;
	[dreg:$0x1] =	wrdreg $0xFFFFFFFF  }
0xab: {  	s28 =	simm.s32 $_size_execute0_lowered;
	s7 =	sadd.s32 s7, s8;
	[dreg:$0x0] =	wrdreg $0x0  }
0xac: {  	s8 =	sshll.u32 s28, $0x1;
	[dreg:$0x2] =	wrdreg s7  }
0xad: {  	[dreg:$0x3] =	wrdreg s8  }
0xae: {  	[dreg:$0x4] =	wrdreg $0xC0  }
0xaf: {  	_ =	task [dreg:s11], $0x5FFFF  }
0xb0: {  	[dreg:$0x1] =	wrdreg $0xFFFFFFFF  }
0xb1: {  	[dreg:$0x0] =	wrdreg $0x60  }
0xb2: {  	[dreg:$0x2] =	wrdreg s2  }
0xb3: {  	[dreg:$0x3] =	wrdreg s19  }
0xb4: {  	[dreg:$0x4] =	wrdreg s4  }
0xb5: {  	[dreg:$0x5] =	wrdreg s5  }
0xb6: {  	[dreg:$0x6] =	wrdreg s6  }
0xb7: {  	[dreg:$0x7] =	wrdreg $0x9  }
0xb8: {  	_ =	task.clear_ibuf [dreg:s11], $0x8FFFF;
	_ =	strace $0x90000046  }
0xb9: {  	s29 =	simm.s32 $0x9;
	_ =	strace $0x80000048  }
0xba: {  	_ =	swait.ge [sflag:s29], $0x1  }
0xbb: {  	[sflag:s29] =	ssyncadd.s32 $0xFFFFFFFF  }
0xbc: {  	_ =	strace $0x90000048  }
0xbd: {  	_ =	sfence  }
0xbe: {  	s30 =	sld [smem:$0x0];
	_ =	sdelay $0x2  }
0xbf: {  	s31 =	sshll.u32 s1, $0xD;
	s1 =	sshrl.u32 s1, $0x2  }
0xc0: {  	s3 =	sand.u32 $0x4000, s31;
	s1 =	sadd.s32 s1, s30  }
0xc1: {  	s0 =	sor.u32 s3, s0;
	s1 =	sshll.u32 s1, $0x11  }
0xc2: {  	s0 =	sor.u32 s1, s0  }
0xc3: {  	s0 =	sadd.s32 $0x8F2B, s0  }
0xc4: {  	[sflag:s0] =	ssyncadd.remote.s32 $0x1  }
0xc5: {  	_ =	sfence.sel $0xFFFF  }
0xc6: {  	[dreg:$0x0] =	wrdreg $0xFFFFFFFF;
	(pc) =	sbr.abs _section_cstart, $3  }
0xc7: {  	[dreg:$0x1] =	wrdreg $0xFFFFFFFF  }
0xc8: {  	_ =	task.clear_ibuf [dreg:s11], $0x2FFFF;
	_ =	strace $0x9FFFFFFF  }
0xc9: {  	(tm) =	ssettm $0x7FFFFFFF  }
tec
execute0_lowered:
.L_overlay_start_1:
0x0: {  	(tag) =	ssettag $0x1  }
0x1: {  	s0 =	rddreg [dreg:$0x0]  }
0x2: {  	s6 =	rddreg [dreg:$0x1]  }
0x3: {  	s1 =	rddreg [dreg:$0x2]  }
0x4: {  	s2 =	rddreg [dreg:$0x3]  }
0x5: {  	s7 =	rddreg [dreg:$0x4];
	s4 =	simm.s32 $0x0;
	s5 =	srdreg.scid  }
0x6: {  	s3 =	stileid.u32;
	s11 =	simm.s32 $0x2;
	s12 =	simm.s32 $0x80  }
0x7: {  	s13 =	simm.s32 $0x400;
	s14 =	simm.s32 $0x8400;
	s15 =	simm.s32 $0x4400  }
0x8: {  	s16 =	simm.s32 $0x280;
	s17 =	simm.s32 $0xC400;
	s18 =	simm.s32 $0x100  }
0x9: {  	s19 =	simm.s32 $0x300;
	s20 =	simm.s32 $0x180;
	s21 =	simm.s32 $0x380  }
0xa: {  	s22 =	simm.s32 $0x10400;
	s23 =	simm.s32 $0x3;
	s5 =	sand.u32 $0x1, s5  }
0xb: {  	s24 =	simm.s32 $0x0;
	[smem:$0x7FF] =	sst s4;
	s8 =	ssub.s32 $0x2, s5  }
0xc: {  	s9 =	sshll.u32 s3, $0x7;
	s5 =	sshll.u32 s5, $0x6;
	s10 =	sshrl.u32 s8, $0x1  }
0xd: {  	_ =	strace $0x80000047;
	s9 =	sor.u32 s5, s9;
	s8 =	ssub.s32 s8, s10  }
0xe: {  	s5 =	sadd.s32 s0, s9;
	s6 =	sadd.s32 s6, s9;
	s7 =	sadd.s32 s7, s9  }
0xf: {  	vm0 =	vcmask $0x3F3C;
	s9 =	simm.s32 $0x200;
	s10 =	simm.s32 $0x1;
	s8 =	smax.u32 s8, $0x1  }
.LBB2_1:
0x10: {  	[tilespmem:s4], [sflag:$0x1] =	stream.linear.gather [hbm4b:s5+s4], $0x200, $0x38;
	[tilespmem:$0x10680] =	vst v63  }
0x11: {  	_ = 	snop  }
0x12: {  	[tilespmem:s9], [sflag:$0x2] =	stream.linear.gather [hbm4b:s6+s4], $0x200, $0x38;
	[tilespmem:$0x10680] =	vst v63  }
0x13: {  	_ =	swait.ge [sflag:s10], $0x200  }
0x14: {  	[sflag:s10] =	ssyncset.done $0x0  }
0x15: {  	[sflag:s10] =	ssyncadd.s32 $0xFFFFFE00  }
0x16: {  	_ =	swait.ge [sflag:s11], $0x200  }
0x17: {  	[sflag:s11] =	ssyncset.done $0x0  }
0x18: {  	[sflag:s11] =	ssyncadd.s32 $0xFFFFFE00  }
0x19: {  	[tilespmem:s13], [sflag:$0x1] =	stream.indirect.gather [hbm4b:s1+s12], $0x80, s4, s12, $0xb8;
	[tilespmem:$0x10680] =	vst v63  }
0x1a: {  	_ = 	snop  }
0x1b: {  	[tilespmem:s14], [sflag:$0x1] =	stream.indirect.gather [hbm4b:s2+s12], $0x80, s9, s12, $0xb8;
	[tilespmem:$0x10680] =	vst v63  }
0x1c: {  	_ = 	snop  }
0x1d: {  	[tilespmem:s15], [sflag:$0x2] =	stream.indirect.gather [hbm4b:s1+s12], $0x80, s12, s12, $0xb8;
	[tilespmem:$0x10680] =	vst v63  }
0x1e: {  	_ = 	snop  }
0x1f: {  	[tilespmem:s17], [sflag:$0x2] =	stream.indirect.gather [hbm4b:s2+s12], $0x80, s16, s12, $0xb8;
	[tilespmem:$0x10680] =	vst v63  }
0x20: {  	_ =	swait.ge [sflag:s10], $0x4000  }
0x21: {  	[sflag:s10] =	ssyncset.done $0x0  }
0x22: {  	[sflag:s10] =	ssyncadd.s32 $0xFFFFC000  }
0x23: {  	_ =	swait.ge [sflag:s10], $0x4000  }
0x24: {  	[sflag:s10] =	ssyncset.done $0x0  }
0x25: {  	s0 =	simm.s32 $0x480;
	[sflag:s10] =	ssyncadd.s32 $0xFFFFC000  }
0x26: {  	s25 =	simm.s32 $0x8480;
	v0 =	vld [tilespmem:s0+$0x0]  }
0x27: {  	v1 =	vld [tilespmem:s25+$0x0]  }
0x28: {  	v2 =	vld [tilespmem:s0+$0x10]  }
0x29: {  	v3 =	vld [tilespmem:s25+$0x10]  }
0x2a: {  	v4 =	vld [tilespmem:s0+$0x20]  }
0x2b: {  	v5 =	vld [tilespmem:s25+$0x20]  }
0x2c: {  	v6 =	vld [tilespmem:s0+$0x30]  }
0x2d: {  	v7 =	vld [tilespmem:s25+$0x30]  }
0x2e: {  	v8 =	vld [tilespmem:s0+$0x40]  }
0x2f: {  	v9 =	vld [tilespmem:s25+$0x40]  }
0x30: {  	v10 =	vld [tilespmem:s0+$0x50]  }
0x31: {  	v11 =	vld [tilespmem:s25+$0x50]  }
0x32: {  	v12 =	vld [tilespmem:s0+$0x60]  }
0x33: {  	v13 =	vld [tilespmem:s25+$0x60]  }
0x34: {  	v14 =	vld [tilespmem:s0+$0x70]  }
0x35: {  	v15 =	vld [tilespmem:s25+$0x70]  }
0x36: {  	v16 =	vld [tilespmem:s25+$0xFFFFFF80]  }
0x37: {  	v17 =	vld [tilespmem:s0+$0xFFFFFF90]  }
0x38: {  	v18 =	vld [tilespmem:s25+$0xFFFFFF90]  }
0x39: {  	v19 =	vld [tilespmem:s0+$0xFFFFFFA0]  }
0x3a: {  	v20 =	vld [tilespmem:s25+$0xFFFFFFA0]  }
0x3b: {  	v21 =	vld [tilespmem:s0+$0xFFFFFFB0]  }
0x3c: {  	v22 =	vld [tilespmem:s25+$0xFFFFFFB0]  }
0x3d: {  	v23 =	vld [tilespmem:s0+$0xFFFFFFC0]  }
0x3e: {  	v24 =	vld [tilespmem:s25+$0xFFFFFFC0]  }
0x3f: {  	v25 =	vld [tilespmem:s0+$0xFFFFFFD0]  }
0x40: {  	v26 =	vld [tilespmem:s25+$0xFFFFFFD0]  }
0x41: {  	v27 =	vld [tilespmem:s0+$0xFFFFFFE0]  }
0x42: {  	v28 =	vld [tilespmem:s25+$0xFFFFFFE0]  }
0x43: {  	v29 =	vld [tilespmem:s0+$0xFFFFFFF0]  }
0x44: {  	v30 =	vld [tilespmem:s25+$0xFFFFFFF0]  }
0x45: {  	s29 =	simm.s32 $0x580;
	v31 =	vld [tilespmem:s0+$0xFFFFFF80]  }
0x46: {  	v32 =	vld [tilespmem:s29+$0x0]  }
0x47: {  	v34 =	vld [tilespmem:s29+$0x10]  }
0x48: {  	v50 =	vld [tilespmem:s29+$0x40]  }
0x49: {  	v54 =	vld [tilespmem:s29+$0x50];
	v0 =	vmul.f32 v1, v0  }
0x4a: {  	s25 =	simm.s32 $0x8580;
	v56 =	vld [tilespmem:s29+$0x60];
	v1 =	vmul.f32 v3, v2;
	v3 =	vmul.f32 v5, v4  }
0x4b: {  	v33 =	vld [tilespmem:s25+$0x0];
	v4 =	vmul.f32 v7, v6;
	v6 =	vmul.f32 v9, v8  }
0x4c: {  	v35 =	vld [tilespmem:s25+$0x10];
	v7 =	vmul.f32 v11, v10;
	v9 =	vmul.f32 v13, v12  }
0x4d: {  	v52 =	vld [tilespmem:s25+$0x40];
	v10 =	vmul.f32 v15, v14;
	v49 =	vmul.f32 v20, v19  }
0x4e: {  	v55 =	vld [tilespmem:s25+$0x50];
	v51 =	vmul.f32 v24, v23;
	v53 =	vmul.f32 v28, v27  }
0x4f: {  	v57 =	vld [tilespmem:s25+$0x60];
	v16 =	vmul.f32 v16, v31;
	v0 =	vadd.f32 v1, v0;
	v3 =	vadd.f32 v4, v3  }
0x50: {  	v2 =	vld [tilespmem:s29+$0x20];
	v4 =	vmul.f32 v22, v21;
	v6 =	vadd.f32 v7, v6;
	v7 =	vmul.f32 v26, v25  }
0x51: {  	v5 =	vld [tilespmem:s25+$0x20];
	v1 =	vmul.f32 v18, v17;
	v9 =	vadd.f32 v10, v9;
	v10 =	vmul.f32 v30, v29  }
0x52: {  	v8 =	vld [tilespmem:s29+$0x30];
	v4 =	vadd.f32 v4, v49;
	v7 =	vadd.f32 v7, v51  }
0x53: {  	v11 =	vld [tilespmem:s25+$0x30];
	v10 =	vadd.f32 v10, v53;
	v1 =	vadd.f32 v1, v16  }
0x54: {  	v0 =	vadd.f32 v3, v0;
	v3 =	vadd.f32 v9, v6;
	v6 =	vld [tilespmem:s29+$0x70]  }
0x55: {  	v7 =	vadd.f32 v10, v7;
	v1 =	vadd.f32 v4, v1;
	v4 =	vld [tilespmem:s25+$0x70]  }
0x56: {  	v61 =	vld [tilespmem:s29+$0xFFFFFFC0];
	v3 =	vadd.f32 v3, v0  }
0x57: {  	v58 =	vld [tilespmem:s25+$0xFFFFFFA0];
	v59 =	vmul.f32 v55, v54;
	v12 =	vmul.f32 v57, v56;
	v1 =	vadd.f32 v7, v1  }
0x58: {  	v60 =	vld [tilespmem:s25+$0xFFFFFFB0];
	v2 =	vmul.f32 v5, v2;
	v5 =	vmul.f32 v11, v8;
	(xrf2) =	vadd.scan.msk.f32 $0xffff, v3  }
0x59: {  	v62 =	vld [tilespmem:s25+$0xFFFFFFD0];
	v11 =	vmul.f32 v52, v50;
	v10 =	vmul.f32 v35, v34;
	(xrf2) =	vadd.scan.msk.f32 $0xffff, v1  }
0x5a: {  	v9 =	vld [tilespmem:s25+$0xFFFFFF90];
	v3 =	vmul.f32 v33, v32;
	v4 =	vmul.f32 v4, v6  }
0x5b: {  	v8 =	vld [tilespmem:s29+$0xFFFFFFB0];
	v2 =	vadd.f32 v5, v2;
	v5 =	vadd.f32 v59, v11  }
0x5c: {  	v0 =	vld [tilespmem:s25+$0xFFFFFF80];
	v3 =	vadd.f32 v10, v3;
	v4 =	vadd.f32 v4, v12  }
0x5d: {  	v11 =	vld [tilespmem:s29+$0xFFFFFFD0]  }
0x5e: {  	v1 =	vld [tilespmem:s29+$0xFFFFFFA0];
	v2 =	vadd.f32 v2, v3;
	v5 =	vadd.f32 v4, v5  }
0x5f: {  	v7 =	vld [tilespmem:s29+$0xFFFFFF90]  }
0x60: {  	v10 =	vld [tilespmem:s25+$0xFFFFFFC0];
	v2 =	vadd.f32 v5, v2  }
0x61: {  	v3 =	vld [tilespmem:s29+$0xFFFFFFE0]  }
0x62: {  	s26 =	simm.s32 $0x10401;
	v4 =	vld [tilespmem:s25+$0xFFFFFFE0];
	v6, _, _ =	vpop (xrf2);
	(xrf2) =	vadd.scan.msk.f32 $0xffff, v2  }
0x63: {  	v8 =	vmul.f32 v60, v8;
	v63 =	vmul.f32 v58, v1;
	v5 =	vld [tilespmem:s29+$0xFFFFFFF0];
	[tilespmem:s26+$0x0] =	vst.msk vm0, v6;
	v6, _, _ =	vpop (xrf2)  }
0x64: {  	v1 =	vmul.f32 v9, v7;
	[tilespmem:s26+$0xFFFFFFFF] =	vst.msk vm0, v6;
	v6 =	vld [tilespmem:s25+$0xFFFFFFF0]  }
0x65: {  	s28 =	simm.s32 $0x2;
	v7 =	vmul.f32 v10, v61;
	v9 =	vmul.f32 v62, v11;
	v2 =	vadd.f32 v8, v63;
	v8 =	vld [tilespmem:s29+$0xFFFFFF80];
	s29 =	simm.s32 $0x680  }
.LBB2_2:
0x66: {  	v10 =	vld [tilespmem:s29+$0x0];
	s25 =	sadd.s32 $0x100, s25  }
0x67: {  	v11 =	vld [tilespmem:s25+$0x0];
	v3 =	vmul.f32 v4, v3;
	v4 =	vadd.f32 v9, v7  }
0x68: {  	v7 =	vld [tilespmem:s29+$0x10]  }
0x69: {  	v9 =	vld [tilespmem:s25+$0x10];
	v5 =	vmul.f32 v6, v5  }
0x6a: {  	v6 =	vld [tilespmem:s29+$0x20];
	v0 =	vmul.f32 v0, v8  }
0x6b: {  	v8 =	vld [tilespmem:s25+$0x20];
	v3 =	vadd.f32 v5, v3  }
0x6c: {  	s26 =	sadd.s32 $0x2, s26;
	v5 =	vld [tilespmem:s29+$0x30];
	v0 =	vadd.f32 v1, v0;
	v1, _, _ =	vpop (xrf2)  }
0x6d: {  	v12 =	vld [tilespmem:s25+$0x30];
	v3 =	vadd.f32 v3, v4;
	[tilespmem:s26+$0x0] =	vst.msk vm0, v1  }
0x6e: {  	v1 =	vld [tilespmem:s29+$0x40];
	v0 =	vadd.f32 v2, v0  }
0x6f: {  	v2 =	vld [tilespmem:s25+$0x40]  }
0x70: {  	v4 =	vld [tilespmem:s29+$0x50];
	v0 =	vadd.f32 v3, v0  }
0x71: {  	v3 =	vld [tilespmem:s25+$0x50]  }
0x72: {  	v13 =	vld [tilespmem:s29+$0x60];
	(xrf2) =	vadd.scan.msk.f32 $0xffff, v0  }
0x73: {  	v14 =	vld [tilespmem:s25+$0x60]  }
0x74: {  	v15 =	vld [tilespmem:s29+$0x70]  }
0x75: {  	s28 =	sadd.s32 $0x2, s28;
	v16 =	vld [tilespmem:s25+$0x70]  }
0x76: {  	p0 =	slt.u32 s28, $0x7E;
	v0 =	vld [tilespmem:s25+$0xFFFFFF80]  }
0x77: {  	v10 =	vmul.f32 v11, v10;
	v7 =	vmul.f32 v9, v7;
	v17 =	vld [tilespmem:s29+$0xFFFFFF90]  }
0x78: {  	v6 =	vmul.f32 v8, v6;
	v5 =	vmul.f32 v12, v5;
	v9 =	vld [tilespmem:s25+$0xFFFFFF90]  }
0x79: {  	v1 =	vmul.f32 v2, v1;
	v2 =	vmul.f32 v3, v4;
	v8 =	vld [tilespmem:s29+$0xFFFFFFA0]  }
0x7a: {  	v4 =	vmul.f32 v14, v13;
	v3 =	vld [tilespmem:s25+$0xFFFFFFA0];
	v11 =	vmul.f32 v16, v15  }
0x7b: {  	v7 =	vadd.f32 v7, v10;
	v5 =	vadd.f32 v5, v6;
	v12 =	vld [tilespmem:s29+$0xFFFFFFB0]  }
0x7c: {  	v2 =	vadd.f32 v2, v1;
	v6 =	vld [tilespmem:s25+$0xFFFFFFB0];
	v4 =	vadd.f32 v11, v4;
	v10, _, _ =	vpop (xrf2)  }
0x7d: {  	v1 =	vmul.f32 v9, v17;
	v9 =	vld [tilespmem:s29+$0xFFFFFFC0];
	[tilespmem:s26+$0xFFFFFFFF] =	vst.msk vm0, v10  }
0x7e: {  	v5 =	vadd.f32 v5, v7;
	v10 =	vld [tilespmem:s25+$0xFFFFFFC0];
	v2 =	vadd.f32 v4, v2  }
0x7f: {  	v8 =	vmul.f32 v3, v8;
	v11 =	vld [tilespmem:s29+$0xFFFFFFD0]  }
0x80: {  	v13 =	vld [tilespmem:s25+$0xFFFFFFD0];
	v2 =	vadd.f32 v2, v5  }
.Ltmp0:
0x81: {  	v6 =	vmul.f32 v6, v12;
	v3 =	vld [tilespmem:s29+$0xFFFFFFE0];
	(pc) =	sbr.rel @p0 .LBB2_2-.Ltmp0, $4  }
0x82: {  	v4 =	vld [tilespmem:s25+$0xFFFFFFE0];
	(xrf2) =	vadd.scan.msk.f32 $0xffff, v2  }
0x83: {  	v7 =	vmul.f32 v10, v9;
	v5 =	vld [tilespmem:s29+$0xFFFFFFF0];
	v2 =	vadd.f32 v6, v8  }
0x84: {  	v6 =	vld [tilespmem:s25+$0xFFFFFFF0]  }
0x85: {  	v8 =	vld [tilespmem:s29+$0xFFFFFF80];
	v9 =	vmul.f32 v13, v11;
	s29 =	sadd.s32 $0x100, s29  }
0x86: {  	_ =	sdelay $0x2  }
0x87: {  	v3 =	vmul.f32 v4, v3  }
0x88: {  	v4 =	vmul.f32 v6, v5;
	v0 =	vmul.f32 v0, v8  }
0x89: {  	v5 =	vadd.f32 v9, v7  }
0x8a: {  	v3 =	vadd.f32 v4, v3;
	v0 =	vadd.f32 v1, v0;
	_ =	sdelay $0x1  }
0x8b: {  	v1 =	vadd.f32 v3, v5;
	v0 =	vadd.f32 v2, v0;
	_ =	sdelay $0x1  }
0x8c: {  	v0 =	vadd.f32 v1, v0;
	_ =	sdelay $0x1  }
0x8d: {  	(xrf2) =	vadd.scan.msk.f32 $0xffff, v0;
	_ =	sdelay $0x8  }
0x8e: {  	s0 =	sadd.s32 $0x2, s26;
	v0, _, _ =	vpop (xrf2)  }
0x8f: {  	[tilespmem:s0+$0x0] =	vst.msk vm0, v0;
	v0, _, _ =	vpop (xrf2)  }
0x90: {  	[tilespmem:s0+$0xFFFFFFFF] =	vst.msk vm0, v0  }
0x91: {  	[tilespmem:s13], [sflag:$0x1] =	stream.indirect.gather [hbm4b:s1+s12], $0x80, s18, s12, $0xb8;
	[tilespmem:$0x10680] =	vst v63  }
0x92: {  	_ = 	snop  }
0x93: {  	[tilespmem:s14], [sflag:$0x1] =	stream.indirect.gather [hbm4b:s2+s12], $0x80, s19, s12, $0xb8;
	[tilespmem:$0x10680] =	vst v63  }
0x94: {  	_ =	swait.ge [sflag:s11], $0x4000  }
0x95: {  	[sflag:s11] =	ssyncset.done $0x0  }
0x96: {  	[sflag:s11] =	ssyncadd.s32 $0xFFFFC000  }
0x97: {  	_ =	swait.ge [sflag:s11], $0x4000  }
0x98: {  	[sflag:s11] =	ssyncset.done $0x0  }
0x99: {  	s31 =	simm.s32 $0x4480;
	[sflag:s11] =	ssyncadd.s32 $0xFFFFC000  }
0x9a: {  	s25 =	simm.s32 $0xC480;
	v0 =	vld [tilespmem:s31+$0x0]  }
0x9b: {  	v1 =	vld [tilespmem:s25+$0x0]  }
0x9c: {  	v2 =	vld [tilespmem:s31+$0x10]  }
0x9d: {  	v3 =	vld [tilespmem:s25+$0x10]  }
0x9e: {  	v4 =	vld [tilespmem:s31+$0x20]  }
0x9f: {  	v5 =	vld [tilespmem:s25+$0x20]  }
0xa0: {  	v6 =	vld [tilespmem:s31+$0x30]  }
0xa1: {  	v7 =	vld [tilespmem:s25+$0x30]  }
0xa2: {  	v8 =	vld [tilespmem:s31+$0x40]  }
0xa3: {  	v9 =	vld [tilespmem:s25+$0x40]  }
0xa4: {  	v10 =	vld [tilespmem:s31+$0x50]  }
0xa5: {  	v11 =	vld [tilespmem:s25+$0x50]  }
0xa6: {  	v12 =	vld [tilespmem:s31+$0x60]  }
0xa7: {  	v13 =	vld [tilespmem:s25+$0x60]  }
0xa8: {  	v14 =	vld [tilespmem:s31+$0x70]  }
0xa9: {  	v15 =	vld [tilespmem:s25+$0x70]  }
0xaa: {  	v16 =	vld [tilespmem:s25+$0xFFFFFF80]  }
0xab: {  	v17 =	vld [tilespmem:s31+$0xFFFFFF90]  }
0xac: {  	v18 =	vld [tilespmem:s25+$0xFFFFFF90]  }
0xad: {  	v19 =	vld [tilespmem:s31+$0xFFFFFFA0]  }
0xae: {  	v20 =	vld [tilespmem:s25+$0xFFFFFFA0]  }
0xaf: {  	v21 =	vld [tilespmem:s31+$0xFFFFFFB0]  }
0xb0: {  	v22 =	vld [tilespmem:s25+$0xFFFFFFB0]  }
0xb1: {  	v23 =	vld [tilespmem:s31+$0xFFFFFFC0]  }
0xb2: {  	v24 =	vld [tilespmem:s25+$0xFFFFFFC0]  }
0xb3: {  	v25 =	vld [tilespmem:s31+$0xFFFFFFD0]  }
0xb4: {  	v26 =	vld [tilespmem:s25+$0xFFFFFFD0]  }
0xb5: {  	v27 =	vld [tilespmem:s31+$0xFFFFFFE0]  }
0xb6: {  	v28 =	vld [tilespmem:s25+$0xFFFFFFE0]  }
0xb7: {  	v29 =	vld [tilespmem:s31+$0xFFFFFFF0]  }
0xb8: {  	v30 =	vld [tilespmem:s25+$0xFFFFFFF0]  }
0xb9: {  	s29 =	simm.s32 $0x4580;
	v31 =	vld [tilespmem:s31+$0xFFFFFF80]  }
0xba: {  	v32 =	vld [tilespmem:s29+$0x0]  }
0xbb: {  	v34 =	vld [tilespmem:s29+$0x10]  }
0xbc: {  	v50 =	vld [tilespmem:s29+$0x40]  }
0xbd: {  	v54 =	vld [tilespmem:s29+$0x50];
	v0 =	vmul.f32 v1, v0  }
0xbe: {  	s25 =	simm.s32 $0xC580;
	v56 =	vld [tilespmem:s29+$0x60];
	v1 =	vmul.f32 v3, v2;
	v3 =	vmul.f32 v5, v4  }
0xbf: {  	v33 =	vld [tilespmem:s25+$0x0];
	v4 =	vmul.f32 v7, v6;
	v6 =	vmul.f32 v9, v8  }
0xc0: {  	v35 =	vld [tilespmem:s25+$0x10];
	v7 =	vmul.f32 v11, v10;
	v9 =	vmul.f32 v13, v12  }
0xc1: {  	v52 =	vld [tilespmem:s25+$0x40];
	v10 =	vmul.f32 v15, v14;
	v49 =	vmul.f32 v20, v19  }
0xc2: {  	v55 =	vld [tilespmem:s25+$0x50];
	v51 =	vmul.f32 v24, v23;
	v53 =	vmul.f32 v28, v27  }
0xc3: {  	v57 =	vld [tilespmem:s25+$0x60];
	v16 =	vmul.f32 v16, v31;
	v0 =	vadd.f32 v1, v0;
	v3 =	vadd.f32 v4, v3  }
0xc4: {  	v2 =	vld [tilespmem:s29+$0x20];
	v4 =	vmul.f32 v22, v21;
	v6 =	vadd.f32 v7, v6;
	v7 =	vmul.f32 v26, v25  }
0xc5: {  	v5 =	vld [tilespmem:s25+$0x20];
	v1 =	vmul.f32 v18, v17;
	v9 =	vadd.f32 v10, v9;
	v10 =	vmul.f32 v30, v29  }
0xc6: {  	v8 =	vld [tilespmem:s29+$0x30];
	v4 =	vadd.f32 v4, v49;
	v7 =	vadd.f32 v7, v51  }
0xc7: {  	v11 =	vld [tilespmem:s25+$0x30];
	v10 =	vadd.f32 v10, v53;
	v1 =	vadd.f32 v1, v16  }
0xc8: {  	v0 =	vadd.f32 v3, v0;
	v3 =	vadd.f32 v9, v6;
	v6 =	vld [tilespmem:s29+$0x70]  }
0xc9: {  	v7 =	vadd.f32 v10, v7;
	v1 =	vadd.f32 v4, v1;
	v4 =	vld [tilespmem:s25+$0x70]  }
0xca: {  	v61 =	vld [tilespmem:s29+$0xFFFFFFC0];
	v3 =	vadd.f32 v3, v0  }
0xcb: {  	v58 =	vld [tilespmem:s25+$0xFFFFFFA0];
	v59 =	vmul.f32 v55, v54;
	v12 =	vmul.f32 v57, v56;
	v1 =	vadd.f32 v7, v1  }
0xcc: {  	v60 =	vld [tilespmem:s25+$0xFFFFFFB0];
	v2 =	vmul.f32 v5, v2;
	v5 =	vmul.f32 v11, v8;
	(xrf2) =	vadd.scan.msk.f32 $0xffff, v3  }
0xcd: {  	v62 =	vld [tilespmem:s25+$0xFFFFFFD0];
	v11 =	vmul.f32 v52, v50;
	v10 =	vmul.f32 v35, v34;
	(xrf2) =	vadd.scan.msk.f32 $0xffff, v1  }
0xce: {  	v9 =	vld [tilespmem:s25+$0xFFFFFF90];
	v3 =	vmul.f32 v33, v32;
	v4 =	vmul.f32 v4, v6  }
0xcf: {  	v8 =	vld [tilespmem:s29+$0xFFFFFFB0];
	v2 =	vadd.f32 v5, v2;
	v5 =	vadd.f32 v59, v11  }
0xd0: {  	v0 =	vld [tilespmem:s25+$0xFFFFFF80];
	v3 =	vadd.f32 v10, v3;
	v4 =	vadd.f32 v4, v12  }
0xd1: {  	v11 =	vld [tilespmem:s29+$0xFFFFFFD0]  }
0xd2: {  	v1 =	vld [tilespmem:s29+$0xFFFFFFA0];
	v2 =	vadd.f32 v2, v3;
	v5 =	vadd.f32 v4, v5  }
0xd3: {  	v7 =	vld [tilespmem:s29+$0xFFFFFF90]  }
0xd4: {  	v10 =	vld [tilespmem:s25+$0xFFFFFFC0];
	v2 =	vadd.f32 v5, v2  }
0xd5: {  	v3 =	vld [tilespmem:s29+$0xFFFFFFE0]  }
0xd6: {  	s26 =	simm.s32 $0x10481;
	v4 =	vld [tilespmem:s25+$0xFFFFFFE0];
	v6, _, _ =	vpop (xrf2);
	(xrf2) =	vadd.scan.msk.f32 $0xffff, v2  }
0xd7: {  	v8 =	vmul.f32 v60, v8;
	v63 =	vmul.f32 v58, v1;
	v5 =	vld [tilespmem:s29+$0xFFFFFFF0];
	[tilespmem:s26+$0x0] =	vst.msk vm0, v6;
	v6, _, _ =	vpop (xrf2)  }
0xd8: {  	v1 =	vmul.f32 v9, v7;
	[tilespmem:s26+$0xFFFFFFFF] =	vst.msk vm0, v6;
	v6 =	vld [tilespmem:s25+$0xFFFFFFF0]  }
0xd9: {  	s28 =	simm.s32 $0x2;
	v7 =	vmul.f32 v10, v61;
	v9 =	vmul.f32 v62, v11;
	v2 =	vadd.f32 v8, v63;
	v8 =	vld [tilespmem:s29+$0xFFFFFF80];
	s29 =	simm.s32 $0x4680  }
.LBB2_4:
0xda: {  	v10 =	vld [tilespmem:s29+$0x0];
	s25 =	sadd.s32 $0x100, s25  }
0xdb: {  	v11 =	vld [tilespmem:s25+$0x0];
	v3 =	vmul.f32 v4, v3;
	v4 =	vadd.f32 v9, v7  }
0xdc: {  	v7 =	vld [tilespmem:s29+$0x10]  }
0xdd: {  	v9 =	vld [tilespmem:s25+$0x10];
	v5 =	vmul.f32 v6, v5  }
0xde: {  	v6 =	vld [tilespmem:s29+$0x20];
	v0 =	vmul.f32 v0, v8  }
0xdf: {  	v8 =	vld [tilespmem:s25+$0x20];
	v3 =	vadd.f32 v5, v3  }
0xe0: {  	s26 =	sadd.s32 $0x2, s26;
	v5 =	vld [tilespmem:s29+$0x30];
	v0 =	vadd.f32 v1, v0;
	v1, _, _ =	vpop (xrf2)  }
0xe1: {  	v12 =	vld [tilespmem:s25+$0x30];
	v3 =	vadd.f32 v3, v4;
	[tilespmem:s26+$0x0] =	vst.msk vm0, v1  }
0xe2: {  	v1 =	vld [tilespmem:s29+$0x40];
	v0 =	vadd.f32 v2, v0  }
0xe3: {  	v2 =	vld [tilespmem:s25+$0x40]  }
0xe4: {  	v4 =	vld [tilespmem:s29+$0x50];
	v0 =	vadd.f32 v3, v0  }
0xe5: {  	v3 =	vld [tilespmem:s25+$0x50]  }
0xe6: {  	v13 =	vld [tilespmem:s29+$0x60];
	(xrf2) =	vadd.scan.msk.f32 $0xffff, v0  }
0xe7: {  	v14 =	vld [tilespmem:s25+$0x60]  }
0xe8: {  	v15 =	vld [tilespmem:s29+$0x70]  }
0xe9: {  	s28 =	sadd.s32 $0x2, s28;
	v16 =	vld [tilespmem:s25+$0x70]  }
0xea: {  	p0 =	slt.u32 s28, $0x7E;
	v0 =	vld [tilespmem:s25+$0xFFFFFF80]  }
0xeb: {  	v10 =	vmul.f32 v11, v10;
	v7 =	vmul.f32 v9, v7;
	v17 =	vld [tilespmem:s29+$0xFFFFFF90]  }
0xec: {  	v6 =	vmul.f32 v8, v6;
	v5 =	vmul.f32 v12, v5;
	v9 =	vld [tilespmem:s25+$0xFFFFFF90]  }
0xed: {  	v1 =	vmul.f32 v2, v1;
	v2 =	vmul.f32 v3, v4;
	v8 =	vld [tilespmem:s29+$0xFFFFFFA0]  }
0xee: {  	v4 =	vmul.f32 v14, v13;
	v3 =	vld [tilespmem:s25+$0xFFFFFFA0];
	v11 =	vmul.f32 v16, v15  }
0xef: {  	v7 =	vadd.f32 v7, v10;
	v5 =	vadd.f32 v5, v6;
	v12 =	vld [tilespmem:s29+$0xFFFFFFB0]  }
0xf0: {  	v2 =	vadd.f32 v2, v1;
	v6 =	vld [tilespmem:s25+$0xFFFFFFB0];
	v4 =	vadd.f32 v11, v4;
	v10, _, _ =	vpop (xrf2)  }
0xf1: {  	v1 =	vmul.f32 v9, v17;
	v9 =	vld [tilespmem:s29+$0xFFFFFFC0];
	[tilespmem:s26+$0xFFFFFFFF] =	vst.msk vm0, v10  }
0xf2: {  	v5 =	vadd.f32 v5, v7;
	v10 =	vld [tilespmem:s25+$0xFFFFFFC0];
	v2 =	vadd.f32 v4, v2  }
0xf3: {  	v8 =	vmul.f32 v3, v8;
	v11 =	vld [tilespmem:s29+$0xFFFFFFD0]  }
0xf4: {  	v13 =	vld [tilespmem:s25+$0xFFFFFFD0];
	v2 =	vadd.f32 v2, v5  }
.Ltmp1:
0xf5: {  	v6 =	vmul.f32 v6, v12;
	v3 =	vld [tilespmem:s29+$0xFFFFFFE0];
	(pc) =	sbr.rel @p0 .LBB2_4-.Ltmp1, $4  }
0xf6: {  	v4 =	vld [tilespmem:s25+$0xFFFFFFE0];
	(xrf2) =	vadd.scan.msk.f32 $0xffff, v2  }
0xf7: {  	v7 =	vmul.f32 v10, v9;
	v5 =	vld [tilespmem:s29+$0xFFFFFFF0];
	v2 =	vadd.f32 v6, v8  }
0xf8: {  	v6 =	vld [tilespmem:s25+$0xFFFFFFF0]  }
0xf9: {  	v8 =	vld [tilespmem:s29+$0xFFFFFF80];
	v9 =	vmul.f32 v13, v11;
	s29 =	sadd.s32 $0x100, s29  }
0xfa: {  	_ =	sdelay $0x2  }
0xfb: {  	v3 =	vmul.f32 v4, v3  }
0xfc: {  	v4 =	vmul.f32 v6, v5;
	v0 =	vmul.f32 v0, v8  }
0xfd: {  	v5 =	vadd.f32 v9, v7  }
0xfe: {  	v3 =	vadd.f32 v4, v3;
	v0 =	vadd.f32 v1, v0;
	_ =	sdelay $0x1  }
0xff: {  	v1 =	vadd.f32 v3, v5;
	v0 =	vadd.f32 v2, v0;
	_ =	sdelay $0x1  }
0x100: {  	v0 =	vadd.f32 v1, v0;
	_ =	sdelay $0x1  }
0x101: {  	(xrf2) =	vadd.scan.msk.f32 $0xffff, v0;
	_ =	sdelay $0x8  }
0x102: {  	s0 =	sadd.s32 $0x2, s26;
	v0, _, _ =	vpop (xrf2)  }
0x103: {  	[tilespmem:s0+$0x0] =	vst.msk vm0, v0;
	v0, _, _ =	vpop (xrf2)  }
0x104: {  	[tilespmem:s0+$0xFFFFFFFF] =	vst.msk vm0, v0  }
0x105: {  	[tilespmem:s15], [sflag:$0x2] =	stream.indirect.gather [hbm4b:s1+s12], $0x80, s20, s12, $0xb8;
	[tilespmem:$0x10680] =	vst v63  }
0x106: {  	_ = 	snop  }
0x107: {  	[tilespmem:s17], [sflag:$0x2] =	stream.indirect.gather [hbm4b:s2+s12], $0x80, s21, s12, $0xb8;
	[tilespmem:$0x10680] =	vst v63  }
0x108: {  	_ =	swait.ge [sflag:s10], $0x4000  }
0x109: {  	[sflag:s10] =	ssyncset.done $0x0  }
0x10a: {  	[sflag:s10] =	ssyncadd.s32 $0xFFFFC000  }
0x10b: {  	_ =	swait.ge [sflag:s10], $0x4000  }
0x10c: {  	[sflag:s10] =	ssyncset.done $0x0  }
0x10d: {  	s31 =	simm.s32 $0x480;
	[sflag:s10] =	ssyncadd.s32 $0xFFFFC000  }
0x10e: {  	s25 =	simm.s32 $0x8480;
	v0 =	vld [tilespmem:s31+$0x0]  }
0x10f: {  	v1 =	vld [tilespmem:s25+$0x0]  }
0x110: {  	v2 =	vld [tilespmem:s31+$0x10]  }
0x111: {  	v3 =	vld [tilespmem:s25+$0x10]  }
0x112: {  	v4 =	vld [tilespmem:s31+$0x20]  }
0x113: {  	v5 =	vld [tilespmem:s25+$0x20]  }
0x114: {  	v6 =	vld [tilespmem:s31+$0x30]  }
0x115: {  	v7 =	vld [tilespmem:s25+$0x30]  }
0x116: {  	v8 =	vld [tilespmem:s31+$0x40]  }
0x117: {  	v9 =	vld [tilespmem:s25+$0x40]  }
0x118: {  	v10 =	vld [tilespmem:s31+$0x50]  }
0x119: {  	v11 =	vld [tilespmem:s25+$0x50]  }
0x11a: {  	v12 =	vld [tilespmem:s31+$0x60]  }
0x11b: {  	v13 =	vld [tilespmem:s25+$0x60]  }
0x11c: {  	v14 =	vld [tilespmem:s31+$0x70]  }
0x11d: {  	v15 =	vld [tilespmem:s25+$0x70]  }
0x11e: {  	v16 =	vld [tilespmem:s25+$0xFFFFFF80]  }
0x11f: {  	v17 =	vld [tilespmem:s31+$0xFFFFFF90]  }
0x120: {  	v18 =	vld [tilespmem:s25+$0xFFFFFF90]  }
0x121: {  	v19 =	vld [tilespmem:s31+$0xFFFFFFA0]  }
0x122: {  	v20 =	vld [tilespmem:s25+$0xFFFFFFA0]  }
0x123: {  	v21 =	vld [tilespmem:s31+$0xFFFFFFB0]  }
0x124: {  	v22 =	vld [tilespmem:s25+$0xFFFFFFB0]  }
0x125: {  	v23 =	vld [tilespmem:s31+$0xFFFFFFC0]  }
0x126: {  	v24 =	vld [tilespmem:s25+$0xFFFFFFC0]  }
0x127: {  	v25 =	vld [tilespmem:s31+$0xFFFFFFD0]  }
0x128: {  	v26 =	vld [tilespmem:s25+$0xFFFFFFD0]  }
0x129: {  	v27 =	vld [tilespmem:s31+$0xFFFFFFE0]  }
0x12a: {  	v28 =	vld [tilespmem:s25+$0xFFFFFFE0]  }
0x12b: {  	v29 =	vld [tilespmem:s31+$0xFFFFFFF0]  }
0x12c: {  	v30 =	vld [tilespmem:s25+$0xFFFFFFF0]  }
0x12d: {  	s29 =	simm.s32 $0x580;
	v31 =	vld [tilespmem:s31+$0xFFFFFF80]  }
0x12e: {  	v32 =	vld [tilespmem:s29+$0x0]  }
0x12f: {  	v34 =	vld [tilespmem:s29+$0x10]  }
0x130: {  	v50 =	vld [tilespmem:s29+$0x40]  }
0x131: {  	v54 =	vld [tilespmem:s29+$0x50];
	v0 =	vmul.f32 v1, v0  }
0x132: {  	s25 =	simm.s32 $0x8580;
	v56 =	vld [tilespmem:s29+$0x60];
	v1 =	vmul.f32 v3, v2;
	v3 =	vmul.f32 v5, v4  }
0x133: {  	v33 =	vld [tilespmem:s25+$0x0];
	v4 =	vmul.f32 v7, v6;
	v6 =	vmul.f32 v9, v8  }
0x134: {  	v35 =	vld [tilespmem:s25+$0x10];
	v7 =	vmul.f32 v11, v10;
	v9 =	vmul.f32 v13, v12  }
0x135: {  	v52 =	vld [tilespmem:s25+$0x40];
	v10 =	vmul.f32 v15, v14;
	v49 =	vmul.f32 v20, v19  }
0x136: {  	v55 =	vld [tilespmem:s25+$0x50];
	v51 =	vmul.f32 v24, v23;
	v53 =	vmul.f32 v28, v27  }
0x137: {  	v57 =	vld [tilespmem:s25+$0x60];
	v16 =	vmul.f32 v16, v31;
	v0 =	vadd.f32 v1, v0;
	v3 =	vadd.f32 v4, v3  }
0x138: {  	v2 =	vld [tilespmem:s29+$0x20];
	v4 =	vmul.f32 v22, v21;
	v6 =	vadd.f32 v7, v6;
	v7 =	vmul.f32 v26, v25  }
0x139: {  	v5 =	vld [tilespmem:s25+$0x20];
	v1 =	vmul.f32 v18, v17;
	v9 =	vadd.f32 v10, v9;
	v10 =	vmul.f32 v30, v29  }
0x13a: {  	v8 =	vld [tilespmem:s29+$0x30];
	v4 =	vadd.f32 v4, v49;
	v7 =	vadd.f32 v7, v51  }
0x13b: {  	v11 =	vld [tilespmem:s25+$0x30];
	v10 =	vadd.f32 v10, v53;
	v1 =	vadd.f32 v1, v16  }
0x13c: {  	v0 =	vadd.f32 v3, v0;
	v3 =	vadd.f32 v9, v6;
	v6 =	vld [tilespmem:s29+$0x70]  }
0x13d: {  	v7 =	vadd.f32 v10, v7;
	v1 =	vadd.f32 v4, v1;
	v4 =	vld [tilespmem:s25+$0x70]  }
0x13e: {  	v61 =	vld [tilespmem:s29+$0xFFFFFFC0];
	v3 =	vadd.f32 v3, v0  }
0x13f: {  	v58 =	vld [tilespmem:s25+$0xFFFFFFA0];
	v59 =	vmul.f32 v55, v54;
	v12 =	vmul.f32 v57, v56;
	v1 =	vadd.f32 v7, v1  }
0x140: {  	v60 =	vld [tilespmem:s25+$0xFFFFFFB0];
	v2 =	vmul.f32 v5, v2;
	v5 =	vmul.f32 v11, v8;
	(xrf2) =	vadd.scan.msk.f32 $0xffff, v3  }
0x141: {  	v62 =	vld [tilespmem:s25+$0xFFFFFFD0];
	v11 =	vmul.f32 v52, v50;
	v10 =	vmul.f32 v35, v34;
	(xrf2) =	vadd.scan.msk.f32 $0xffff, v1  }
0x142: {  	v9 =	vld [tilespmem:s25+$0xFFFFFF90];
	v3 =	vmul.f32 v33, v32;
	v4 =	vmul.f32 v4, v6  }
0x143: {  	v8 =	vld [tilespmem:s29+$0xFFFFFFB0];
	v2 =	vadd.f32 v5, v2;
	v5 =	vadd.f32 v59, v11  }
0x144: {  	v0 =	vld [tilespmem:s25+$0xFFFFFF80];
	v3 =	vadd.f32 v10, v3;
	v4 =	vadd.f32 v4, v12  }
0x145: {  	v11 =	vld [tilespmem:s29+$0xFFFFFFD0]  }
0x146: {  	v1 =	vld [tilespmem:s29+$0xFFFFFFA0];
	v2 =	vadd.f32 v2, v3;
	v5 =	vadd.f32 v4, v5  }
0x147: {  	v7 =	vld [tilespmem:s29+$0xFFFFFF90]  }
0x148: {  	v10 =	vld [tilespmem:s25+$0xFFFFFFC0];
	v2 =	vadd.f32 v5, v2  }
0x149: {  	v3 =	vld [tilespmem:s29+$0xFFFFFFE0]  }
0x14a: {  	s26 =	simm.s32 $0x10501;
	v4 =	vld [tilespmem:s25+$0xFFFFFFE0];
	v6, _, _ =	vpop (xrf2);
	(xrf2) =	vadd.scan.msk.f32 $0xffff, v2  }
0x14b: {  	v8 =	vmul.f32 v60, v8;
	v63 =	vmul.f32 v58, v1;
	v5 =	vld [tilespmem:s29+$0xFFFFFFF0];
	[tilespmem:s26+$0x0] =	vst.msk vm0, v6;
	v6, _, _ =	vpop (xrf2)  }
0x14c: {  	v1 =	vmul.f32 v9, v7;
	[tilespmem:s26+$0xFFFFFFFF] =	vst.msk vm0, v6;
	v6 =	vld [tilespmem:s25+$0xFFFFFFF0]  }
0x14d: {  	s28 =	simm.s32 $0x2;
	v7 =	vmul.f32 v10, v61;
	v9 =	vmul.f32 v62, v11;
	v2 =	vadd.f32 v8, v63;
	v8 =	vld [tilespmem:s29+$0xFFFFFF80];
	s29 =	simm.s32 $0x680  }
.LBB2_6:
0x14e: {  	v10 =	vld [tilespmem:s29+$0x0];
	s25 =	sadd.s32 $0x100, s25  }
0x14f: {  	v11 =	vld [tilespmem:s25+$0x0];
	v3 =	vmul.f32 v4, v3;
	v4 =	vadd.f32 v9, v7  }
0x150: {  	v7 =	vld [tilespmem:s29+$0x10]  }
0x151: {  	v9 =	vld [tilespmem:s25+$0x10];
	v5 =	vmul.f32 v6, v5  }
0x152: {  	v6 =	vld [tilespmem:s29+$0x20];
	v0 =	vmul.f32 v0, v8  }
0x153: {  	v8 =	vld [tilespmem:s25+$0x20];
	v3 =	vadd.f32 v5, v3  }
0x154: {  	s26 =	sadd.s32 $0x2, s26;
	v5 =	vld [tilespmem:s29+$0x30];
	v0 =	vadd.f32 v1, v0;
	v1, _, _ =	vpop (xrf2)  }
0x155: {  	v12 =	vld [tilespmem:s25+$0x30];
	v3 =	vadd.f32 v3, v4;
	[tilespmem:s26+$0x0] =	vst.msk vm0, v1  }
0x156: {  	v1 =	vld [tilespmem:s29+$0x40];
	v0 =	vadd.f32 v2, v0  }
0x157: {  	v2 =	vld [tilespmem:s25+$0x40]  }
0x158: {  	v4 =	vld [tilespmem:s29+$0x50];
	v0 =	vadd.f32 v3, v0  }
0x159: {  	v3 =	vld [tilespmem:s25+$0x50]  }
0x15a: {  	v13 =	vld [tilespmem:s29+$0x60];
	(xrf2) =	vadd.scan.msk.f32 $0xffff, v0  }
0x15b: {  	v14 =	vld [tilespmem:s25+$0x60]  }
0x15c: {  	v15 =	vld [tilespmem:s29+$0x70]  }
0x15d: {  	s28 =	sadd.s32 $0x2, s28;
	v16 =	vld [tilespmem:s25+$0x70]  }
0x15e: {  	p0 =	slt.u32 s28, $0x7E;
	v0 =	vld [tilespmem:s25+$0xFFFFFF80]  }
0x15f: {  	v10 =	vmul.f32 v11, v10;
	v7 =	vmul.f32 v9, v7;
	v17 =	vld [tilespmem:s29+$0xFFFFFF90]  }
0x160: {  	v6 =	vmul.f32 v8, v6;
	v5 =	vmul.f32 v12, v5;
	v9 =	vld [tilespmem:s25+$0xFFFFFF90]  }
0x161: {  	v1 =	vmul.f32 v2, v1;
	v2 =	vmul.f32 v3, v4;
	v8 =	vld [tilespmem:s29+$0xFFFFFFA0]  }
0x162: {  	v4 =	vmul.f32 v14, v13;
	v3 =	vld [tilespmem:s25+$0xFFFFFFA0];
	v11 =	vmul.f32 v16, v15  }
0x163: {  	v7 =	vadd.f32 v7, v10;
	v5 =	vadd.f32 v5, v6;
	v12 =	vld [tilespmem:s29+$0xFFFFFFB0]  }
0x164: {  	v2 =	vadd.f32 v2, v1;
	v6 =	vld [tilespmem:s25+$0xFFFFFFB0];
	v4 =	vadd.f32 v11, v4;
	v10, _, _ =	vpop (xrf2)  }
0x165: {  	v1 =	vmul.f32 v9, v17;
	v9 =	vld [tilespmem:s29+$0xFFFFFFC0];
	[tilespmem:s26+$0xFFFFFFFF] =	vst.msk vm0, v10  }
0x166: {  	v5 =	vadd.f32 v5, v7;
	v10 =	vld [tilespmem:s25+$0xFFFFFFC0];
	v2 =	vadd.f32 v4, v2  }
0x167: {  	v8 =	vmul.f32 v3, v8;
	v11 =	vld [tilespmem:s29+$0xFFFFFFD0]  }
0x168: {  	v13 =	vld [tilespmem:s25+$0xFFFFFFD0];
	v2 =	vadd.f32 v2, v5  }
.Ltmp2:
0x169: {  	v6 =	vmul.f32 v6, v12;
	v3 =	vld [tilespmem:s29+$0xFFFFFFE0];
	(pc) =	sbr.rel @p0 .LBB2_6-.Ltmp2, $4  }
0x16a: {  	v4 =	vld [tilespmem:s25+$0xFFFFFFE0];
	(xrf2) =	vadd.scan.msk.f32 $0xffff, v2  }
0x16b: {  	v7 =	vmul.f32 v10, v9;
	v5 =	vld [tilespmem:s29+$0xFFFFFFF0];
	v2 =	vadd.f32 v6, v8  }
0x16c: {  	v6 =	vld [tilespmem:s25+$0xFFFFFFF0]  }
0x16d: {  	v8 =	vld [tilespmem:s29+$0xFFFFFF80];
	v9 =	vmul.f32 v13, v11;
	s29 =	sadd.s32 $0x100, s29  }
0x16e: {  	_ =	sdelay $0x2  }
0x16f: {  	v3 =	vmul.f32 v4, v3  }
0x170: {  	v4 =	vmul.f32 v6, v5;
	v0 =	vmul.f32 v0, v8  }
0x171: {  	v5 =	vadd.f32 v9, v7  }
0x172: {  	v3 =	vadd.f32 v4, v3;
	v0 =	vadd.f32 v1, v0;
	_ =	sdelay $0x1  }
0x173: {  	v1 =	vadd.f32 v3, v5;
	v0 =	vadd.f32 v2, v0;
	_ =	sdelay $0x1  }
0x174: {  	v0 =	vadd.f32 v1, v0;
	_ =	sdelay $0x1  }
0x175: {  	(xrf2) =	vadd.scan.msk.f32 $0xffff, v0;
	_ =	sdelay $0x8  }
0x176: {  	s0 =	sadd.s32 $0x2, s26;
	v0, _, _ =	vpop (xrf2)  }
0x177: {  	[tilespmem:s0+$0x0] =	vst.msk vm0, v0;
	v0, _, _ =	vpop (xrf2)  }
0x178: {  	[tilespmem:s0+$0xFFFFFFFF] =	vst.msk vm0, v0  }
0x179: {  	_ =	swait.ge [sflag:s11], $0x4000  }
0x17a: {  	[sflag:s11] =	ssyncset.done $0x0  }
0x17b: {  	[sflag:s11] =	ssyncadd.s32 $0xFFFFC000  }
0x17c: {  	_ =	swait.ge [sflag:s11], $0x4000  }
0x17d: {  	[sflag:s11] =	ssyncset.done $0x0  }
0x17e: {  	s31 =	simm.s32 $0x4480;
	[sflag:s11] =	ssyncadd.s32 $0xFFFFC000  }
0x17f: {  	s25 =	simm.s32 $0xC480;
	v0 =	vld [tilespmem:s31+$0x0]  }
0x180: {  	v1 =	vld [tilespmem:s25+$0x0]  }
0x181: {  	v2 =	vld [tilespmem:s31+$0x10]  }
0x182: {  	v3 =	vld [tilespmem:s25+$0x10]  }
0x183: {  	v4 =	vld [tilespmem:s31+$0x20]  }
0x184: {  	v5 =	vld [tilespmem:s25+$0x20]  }
0x185: {  	v6 =	vld [tilespmem:s31+$0x30]  }
0x186: {  	v7 =	vld [tilespmem:s25+$0x30]  }
0x187: {  	v8 =	vld [tilespmem:s31+$0x40]  }
0x188: {  	v9 =	vld [tilespmem:s25+$0x40]  }
0x189: {  	v10 =	vld [tilespmem:s31+$0x50]  }
0x18a: {  	v11 =	vld [tilespmem:s25+$0x50]  }
0x18b: {  	v12 =	vld [tilespmem:s31+$0x60]  }
0x18c: {  	v13 =	vld [tilespmem:s25+$0x60]  }
0x18d: {  	v14 =	vld [tilespmem:s31+$0x70]  }
0x18e: {  	v15 =	vld [tilespmem:s25+$0x70]  }
0x18f: {  	v16 =	vld [tilespmem:s25+$0xFFFFFF80]  }
0x190: {  	v17 =	vld [tilespmem:s31+$0xFFFFFF90]  }
0x191: {  	v18 =	vld [tilespmem:s25+$0xFFFFFF90]  }
0x192: {  	v19 =	vld [tilespmem:s31+$0xFFFFFFA0]  }
0x193: {  	v20 =	vld [tilespmem:s25+$0xFFFFFFA0]  }
0x194: {  	v21 =	vld [tilespmem:s31+$0xFFFFFFB0]  }
0x195: {  	v22 =	vld [tilespmem:s25+$0xFFFFFFB0]  }
0x196: {  	v23 =	vld [tilespmem:s31+$0xFFFFFFC0]  }
0x197: {  	v24 =	vld [tilespmem:s25+$0xFFFFFFC0]  }
0x198: {  	v25 =	vld [tilespmem:s31+$0xFFFFFFD0]  }
0x199: {  	v26 =	vld [tilespmem:s25+$0xFFFFFFD0]  }
0x19a: {  	v27 =	vld [tilespmem:s31+$0xFFFFFFE0]  }
0x19b: {  	v28 =	vld [tilespmem:s25+$0xFFFFFFE0]  }
0x19c: {  	v29 =	vld [tilespmem:s31+$0xFFFFFFF0]  }
0x19d: {  	v30 =	vld [tilespmem:s25+$0xFFFFFFF0]  }
0x19e: {  	s29 =	simm.s32 $0x4580;
	v31 =	vld [tilespmem:s31+$0xFFFFFF80]  }
0x19f: {  	v32 =	vld [tilespmem:s29+$0x0]  }
0x1a0: {  	v34 =	vld [tilespmem:s29+$0x10]  }
0x1a1: {  	v50 =	vld [tilespmem:s29+$0x40]  }
0x1a2: {  	v54 =	vld [tilespmem:s29+$0x50];
	v0 =	vmul.f32 v1, v0  }
0x1a3: {  	s25 =	simm.s32 $0xC580;
	v56 =	vld [tilespmem:s29+$0x60];
	v1 =	vmul.f32 v3, v2;
	v3 =	vmul.f32 v5, v4  }
0x1a4: {  	v33 =	vld [tilespmem:s25+$0x0];
	v4 =	vmul.f32 v7, v6;
	v6 =	vmul.f32 v9, v8  }
0x1a5: {  	v35 =	vld [tilespmem:s25+$0x10];
	v7 =	vmul.f32 v11, v10;
	v9 =	vmul.f32 v13, v12  }
0x1a6: {  	v52 =	vld [tilespmem:s25+$0x40];
	v10 =	vmul.f32 v15, v14;
	v49 =	vmul.f32 v20, v19  }
0x1a7: {  	v55 =	vld [tilespmem:s25+$0x50];
	v51 =	vmul.f32 v24, v23;
	v53 =	vmul.f32 v28, v27  }
0x1a8: {  	v57 =	vld [tilespmem:s25+$0x60];
	v16 =	vmul.f32 v16, v31;
	v0 =	vadd.f32 v1, v0;
	v3 =	vadd.f32 v4, v3  }
0x1a9: {  	v2 =	vld [tilespmem:s29+$0x20];
	v4 =	vmul.f32 v22, v21;
	v6 =	vadd.f32 v7, v6;
	v7 =	vmul.f32 v26, v25  }
0x1aa: {  	v5 =	vld [tilespmem:s25+$0x20];
	v1 =	vmul.f32 v18, v17;
	v9 =	vadd.f32 v10, v9;
	v10 =	vmul.f32 v30, v29  }
0x1ab: {  	v8 =	vld [tilespmem:s29+$0x30];
	v4 =	vadd.f32 v4, v49;
	v7 =	vadd.f32 v7, v51  }
0x1ac: {  	v11 =	vld [tilespmem:s25+$0x30];
	v10 =	vadd.f32 v10, v53;
	v1 =	vadd.f32 v1, v16  }
0x1ad: {  	v0 =	vadd.f32 v3, v0;
	v3 =	vadd.f32 v9, v6;
	v6 =	vld [tilespmem:s29+$0x70]  }
0x1ae: {  	v7 =	vadd.f32 v10, v7;
	v1 =	vadd.f32 v4, v1;
	v4 =	vld [tilespmem:s25+$0x70]  }
0x1af: {  	v61 =	vld [tilespmem:s29+$0xFFFFFFC0];
	v3 =	vadd.f32 v3, v0  }
0x1b0: {  	v58 =	vld [tilespmem:s25+$0xFFFFFFA0];
	v59 =	vmul.f32 v55, v54;
	v12 =	vmul.f32 v57, v56;
	v1 =	vadd.f32 v7, v1  }
0x1b1: {  	v60 =	vld [tilespmem:s25+$0xFFFFFFB0];
	v2 =	vmul.f32 v5, v2;
	v5 =	vmul.f32 v11, v8;
	(xrf2) =	vadd.scan.msk.f32 $0xffff, v3  }
0x1b2: {  	v62 =	vld [tilespmem:s25+$0xFFFFFFD0];
	v11 =	vmul.f32 v52, v50;
	v10 =	vmul.f32 v35, v34;
	(xrf2) =	vadd.scan.msk.f32 $0xffff, v1  }
0x1b3: {  	v9 =	vld [tilespmem:s25+$0xFFFFFF90];
	v3 =	vmul.f32 v33, v32;
	v4 =	vmul.f32 v4, v6  }
0x1b4: {  	v8 =	vld [tilespmem:s29+$0xFFFFFFB0];
	v2 =	vadd.f32 v5, v2;
	v5 =	vadd.f32 v59, v11  }
0x1b5: {  	v0 =	vld [tilespmem:s25+$0xFFFFFF80];
	v3 =	vadd.f32 v10, v3;
	v4 =	vadd.f32 v4, v12  }
0x1b6: {  	v11 =	vld [tilespmem:s29+$0xFFFFFFD0]  }
0x1b7: {  	v1 =	vld [tilespmem:s29+$0xFFFFFFA0];
	v2 =	vadd.f32 v2, v3;
	v5 =	vadd.f32 v4, v5  }
0x1b8: {  	v7 =	vld [tilespmem:s29+$0xFFFFFF90]  }
0x1b9: {  	v10 =	vld [tilespmem:s25+$0xFFFFFFC0];
	v2 =	vadd.f32 v5, v2  }
0x1ba: {  	v3 =	vld [tilespmem:s29+$0xFFFFFFE0]  }
0x1bb: {  	s26 =	simm.s32 $0x10581;
	v4 =	vld [tilespmem:s25+$0xFFFFFFE0];
	v6, _, _ =	vpop (xrf2);
	(xrf2) =	vadd.scan.msk.f32 $0xffff, v2  }
0x1bc: {  	v8 =	vmul.f32 v60, v8;
	v63 =	vmul.f32 v58, v1;
	v5 =	vld [tilespmem:s29+$0xFFFFFFF0];
	[tilespmem:s26+$0x0] =	vst.msk vm0, v6;
	v6, _, _ =	vpop (xrf2)  }
0x1bd: {  	v1 =	vmul.f32 v9, v7;
	[tilespmem:s26+$0xFFFFFFFF] =	vst.msk vm0, v6;
	v6 =	vld [tilespmem:s25+$0xFFFFFFF0]  }
0x1be: {  	s28 =	simm.s32 $0x2;
	v7 =	vmul.f32 v10, v61;
	v9 =	vmul.f32 v62, v11;
	v2 =	vadd.f32 v8, v63;
	v8 =	vld [tilespmem:s29+$0xFFFFFF80];
	s29 =	simm.s32 $0x4680  }
.LBB2_8:
0x1bf: {  	v10 =	vld [tilespmem:s29+$0x0];
	s25 =	sadd.s32 $0x100, s25  }
0x1c0: {  	v11 =	vld [tilespmem:s25+$0x0];
	v3 =	vmul.f32 v4, v3;
	v4 =	vadd.f32 v9, v7  }
0x1c1: {  	v7 =	vld [tilespmem:s29+$0x10]  }
0x1c2: {  	v9 =	vld [tilespmem:s25+$0x10];
	v5 =	vmul.f32 v6, v5  }
0x1c3: {  	v6 =	vld [tilespmem:s29+$0x20];
	v0 =	vmul.f32 v0, v8  }
0x1c4: {  	v8 =	vld [tilespmem:s25+$0x20];
	v3 =	vadd.f32 v5, v3  }
0x1c5: {  	s26 =	sadd.s32 $0x2, s26;
	v5 =	vld [tilespmem:s29+$0x30];
	v0 =	vadd.f32 v1, v0;
	v1, _, _ =	vpop (xrf2)  }
0x1c6: {  	v12 =	vld [tilespmem:s25+$0x30];
	v3 =	vadd.f32 v3, v4;
	[tilespmem:s26+$0x0] =	vst.msk vm0, v1  }
0x1c7: {  	v1 =	vld [tilespmem:s29+$0x40];
	v0 =	vadd.f32 v2, v0  }
0x1c8: {  	v2 =	vld [tilespmem:s25+$0x40]  }
0x1c9: {  	v4 =	vld [tilespmem:s29+$0x50];
	v0 =	vadd.f32 v3, v0  }
0x1ca: {  	v3 =	vld [tilespmem:s25+$0x50]  }
0x1cb: {  	v13 =	vld [tilespmem:s29+$0x60];
	(xrf2) =	vadd.scan.msk.f32 $0xffff, v0  }
0x1cc: {  	v14 =	vld [tilespmem:s25+$0x60]  }
0x1cd: {  	v15 =	vld [tilespmem:s29+$0x70]  }
0x1ce: {  	s28 =	sadd.s32 $0x2, s28;
	v16 =	vld [tilespmem:s25+$0x70]  }
0x1cf: {  	p0 =	slt.u32 s28, $0x7E;
	v0 =	vld [tilespmem:s25+$0xFFFFFF80]  }
0x1d0: {  	v10 =	vmul.f32 v11, v10;
	v7 =	vmul.f32 v9, v7;
	v17 =	vld [tilespmem:s29+$0xFFFFFF90]  }
0x1d1: {  	v6 =	vmul.f32 v8, v6;
	v5 =	vmul.f32 v12, v5;
	v9 =	vld [tilespmem:s25+$0xFFFFFF90]  }
0x1d2: {  	v1 =	vmul.f32 v2, v1;
	v2 =	vmul.f32 v3, v4;
	v8 =	vld [tilespmem:s29+$0xFFFFFFA0]  }
0x1d3: {  	v4 =	vmul.f32 v14, v13;
	v3 =	vld [tilespmem:s25+$0xFFFFFFA0];
	v11 =	vmul.f32 v16, v15  }
0x1d4: {  	v7 =	vadd.f32 v7, v10;
	v5 =	vadd.f32 v5, v6;
	v12 =	vld [tilespmem:s29+$0xFFFFFFB0]  }
0x1d5: {  	v2 =	vadd.f32 v2, v1;
	v6 =	vld [tilespmem:s25+$0xFFFFFFB0];
	v4 =	vadd.f32 v11, v4;
	v10, _, _ =	vpop (xrf2)  }
0x1d6: {  	v1 =	vmul.f32 v9, v17;
	v9 =	vld [tilespmem:s29+$0xFFFFFFC0];
	[tilespmem:s26+$0xFFFFFFFF] =	vst.msk vm0, v10  }
0x1d7: {  	v5 =	vadd.f32 v5, v7;
	v10 =	vld [tilespmem:s25+$0xFFFFFFC0];
	v2 =	vadd.f32 v4, v2  }
0x1d8: {  	v8 =	vmul.f32 v3, v8;
	v11 =	vld [tilespmem:s29+$0xFFFFFFD0]  }
0x1d9: {  	v13 =	vld [tilespmem:s25+$0xFFFFFFD0];
	v2 =	vadd.f32 v2, v5  }
.Ltmp3:
0x1da: {  	v6 =	vmul.f32 v6, v12;
	v3 =	vld [tilespmem:s29+$0xFFFFFFE0];
	(pc) =	sbr.rel @p0 .LBB2_8-.Ltmp3, $4  }
0x1db: {  	v4 =	vld [tilespmem:s25+$0xFFFFFFE0];
	(xrf2) =	vadd.scan.msk.f32 $0xffff, v2  }
0x1dc: {  	v7 =	vmul.f32 v10, v9;
	v5 =	vld [tilespmem:s29+$0xFFFFFFF0];
	v2 =	vadd.f32 v6, v8  }
0x1dd: {  	v6 =	vld [tilespmem:s25+$0xFFFFFFF0]  }
0x1de: {  	v8 =	vld [tilespmem:s29+$0xFFFFFF80];
	v9 =	vmul.f32 v13, v11;
	s29 =	sadd.s32 $0x100, s29  }
0x1df: {  	_ =	sdelay $0x2  }
0x1e0: {  	v3 =	vmul.f32 v4, v3  }
0x1e1: {  	v4 =	vmul.f32 v6, v5;
	v0 =	vmul.f32 v0, v8  }
0x1e2: {  	v5 =	vadd.f32 v9, v7  }
0x1e3: {  	v3 =	vadd.f32 v4, v3;
	v0 =	vadd.f32 v1, v0;
	_ =	sdelay $0x1  }
0x1e4: {  	v1 =	vadd.f32 v3, v5;
	v0 =	vadd.f32 v2, v0;
	_ =	sdelay $0x1  }
0x1e5: {  	v0 =	vadd.f32 v1, v0;
	_ =	sdelay $0x1  }
0x1e6: {  	(xrf2) =	vadd.scan.msk.f32 $0xffff, v0;
	_ =	sdelay $0x8  }
0x1e7: {  	s0 =	sadd.s32 $0x2, s26;
	v0, _, _ =	vpop (xrf2)  }
0x1e8: {  	[tilespmem:s0+$0x0] =	vst.msk vm0, v0;
	v0, _, _ =	vpop (xrf2)  }
0x1e9: {  	s26 =	simm.s32 $0x10420;
	[tilespmem:s0+$0xFFFFFFFF] =	vst.msk vm0, v0  }
0x1ea: {  	v0 =	vld [tilespmem:s26+$0x10]  }
0x1eb: {  	v2 =	vld [tilespmem:s26+$0xFFFFFFF0]  }
0x1ec: {  	p3 =	por $0x1, $0x1;
	v4 =	vld [tilespmem:s26+$0x0]  }
.Ltmp4:
0x1ed: {  	_ = 	snop;
	(pc) =	sbr.rel @!p3 .LBB2_10-.Ltmp4, $4  }
0x1ee: {  	_ = 	snop  }
0x1ef: {  	v0 =	vsub.f32 $0.0e+00, v0  }
0x1f0: {  	s25 =	simm.s32 $0x10460  }
0x1f1: {  	p0 =	por $0x0, $0x0;
	p1 =	por $0x0, $0x0;
	p2 =	por $0x0, $0x0;
	v1 =	vld [tilespmem:s26+$0xFFFFFFE0];
	v3 =	vsub.f32 $0.0e+00, v2;
	v2 =	vsub.f32 $0.0e+00, v4;
	v4 =	vmul.f32 $1.442695020e+00, v0  }
0x1f2: {  	_ = 	snop  }
0x1f3: {  	v0 =	vld [tilespmem:s25+$0x10]  }
0x1f4: {  	v5 =	vld [tilespmem:s25+$0xFFFFFFF0]  }
0x1f5: {  	v6 =	vld [tilespmem:s25+$0x0];
	p3 =	por $0x1, $0x1  }
.Ltmp5:
0x1f6: {  	v3 =	vmul.f32 $1.442695020e+00, v3;
	v1 =	vsub.f32 $0.0e+00, v1;
	(pc) =	sbr.rel @!p3 .LBB2_12-.Ltmp5, $4  }
0x1f7: {  	(erf) = vpow2.f32 v4;
	v2 =	vmul.f32 $1.442695020e+00, v2  }
0x1f8: {  	(erf) = vpow2.f32 v3;
	v0 =	vsub.f32 $0.0e+00, v0;
	v1 =	vmul.f32 $1.442695020e+00, v1  }
0x1f9: {  	(erf) = vpow2.f32 v2;
	v3 =	vsub.f32 $0.0e+00, v5  }
0x1fa: {  	s28 =	simm.s32 $0x104A0;
	p0 =	por $0x1, $0x1;
	v2 =	vsub.f32 $0.0e+00, v6;
	v4 =	vmul.f32 $1.442695020e+00, v0;
	(erf) = vpow2.f32 v1;
	v1 =	vld [tilespmem:s25+$0xFFFFFFE0]  }
0x1fb: {  	_ =	sdelay $0x1  }
0x1fc: {  	v3 =	vmul.f32 $1.442695020e+00, v3;
	_ =	sdelay $0x1  }
0x1fd: {  	v1 =	vsub.f32 $0.0e+00, v1  }
0x1fe: {  	v2 =	vmul.f32 $1.442695020e+00, v2;
	(erf) = vpow2.f32 v4  }
0x1ff: {  	(erf) = vpow2.f32 v3;
	v3 =	vpop (erf);
	v1 =	vmul.f32 $1.442695020e+00, v1  }
0x200: {  	(erf) = vpow2.f32 v2;
	v2 =	vadd.f32 $1.000000000e+00, v3;
	v3 =	vpop (erf)  }
0x201: {  	(erf) = vpow2.f32 v1;
	v1 =	vadd.f32 $1.000000000e+00, v3;
	v3 =	vpop (erf)  }
0x202: {  	v7 =	vadd.f32 $1.000000000e+00, v3;
	(erf) = vrcp.f32 v2  }
0x203: {  	(erf) = vrcp.f32 v1  }
0x204: {  	(erf) = vrcp.f32 v7  }
0x205: {  	v0 =	vld [tilespmem:s28+$0x10]  }
0x206: {  	v5 =	vld [tilespmem:s28+$0xFFFFFFF0]  }
0x207: {  	p3 =	por $0x1, $0x1;
	v4 =	vld [tilespmem:s28+$0x0]  }
.Ltmp6:
0x208: {  	_ = 	snop;
	(pc) =	sbr.rel @!p3 .LBB2_14-.Ltmp6, $4  }
0x209: {  	_ = 	snop  }
0x20a: {  	v6 =	vsub.f32 $0.0e+00, v0  }
0x20b: {  	v0 =	vpop (erf);
	v3 =	vsub.f32 $0.0e+00, v5  }
0x20c: {  	s30 =	simm.s32 $0x104E0;
	p1 =	por $0x1, $0x1;
	v2 =	vsub.f32 $0.0e+00, v4;
	v4 =	vmul.f32 $1.442695020e+00, v6;
	v0 =	vadd.f32 $1.000000000e+00, v0;
	v1 =	vld [tilespmem:s28+$0xFFFFFFE0]  }
0x20d: {  	_ =	sdelay $0x1  }
0x20e: {  	v3 =	vmul.f32 $1.442695020e+00, v3;
	_ =	sdelay $0x1  }
0x20f: {  	(erf) = vrcp.f32 v0;
	v1 =	vsub.f32 $0.0e+00, v1  }
0x210: {  	v5 =	vld [tilespmem:s30+$0x10];
	v2 =	vmul.f32 $1.442695020e+00, v2;
	(erf) = vpow2.f32 v4  }
0x211: {  	(erf) = vpow2.f32 v3;
	v3 =	vpop (erf);
	v1 =	vmul.f32 $1.442695020e+00, v1  }
0x212: {  	(erf) = vpow2.f32 v2;
	v2 =	vadd.f32 $1.000000000e+00, v3;
	v3 =	vpop (erf)  }
0x213: {  	v6 =	vld [tilespmem:s30+$0xFFFFFFF0];
	(erf) = vpow2.f32 v1;
	v1 =	vadd.f32 $1.000000000e+00, v3;
	v3 =	vpop (erf)  }
0x214: {  	p3 =	por $0x1, $0x1;
	v4 =	vld [tilespmem:s30+$0x0];
	v8 =	vpop (erf);
	(erf) = vrcp.f32 v2  }
.Ltmp7:
0x215: {  	v5 =	vsub.f32 $0.0e+00, v5;
	(erf) = vrcp.f32 v1;
	v1 =	vld [tilespmem:s30+$0xFFFFFFE0];
	(pc) =	sbr.rel @!p3 .LBB2_16-.Ltmp7, $3  }
0x216: {  	v7 =	vadd.f32 $1.000000000e+00, v3;
	_ =	sdelay $0x1  }
0x217: {  	s31 =	simm.s32 $0xC;
	v3 =	vsub.f32 $0.0e+00, v6;
	v6 =	vadd.f32 $1.000000000e+00, v8;
	v8 =	vpop (erf);
	(erf) = vrcp.f32 v7  }
0x218: {  	s0 =	simm.s32 $0x10520;
	p2 =	por $0x1, $0x1;
	s29 =	simm.s32 $0x10420;
	v2 =	vsub.f32 $0.0e+00, v4;
	v4 =	vmul.f32 $1.442695020e+00, v5;
	[tilespmem:s26+$0x10] =	vst v8;
	v5 =	vpop (erf)  }
.LBB2_17:
0x219: {  	v7 =	vld [tilespmem:s0+$0x10];
	s31 =	sadd.s32 $0x4, s31;
	v1 =	vsub.f32 $0.0e+00, v1;
	v9 =	vmul.f32 $1.442695020e+00, v3;
	(erf) = vrcp.f32 v6;
	[tilespmem:s29+$0xFFFFFFF0] =	vst v5;
	v5 =	vpop (erf)  }
0x21a: {  	v6 =	vld [tilespmem:s0+$0xFFFFFFF0];
	p3 =	slt.u32 s31, $0x1C;
	v2 =	vmul.f32 $1.442695020e+00, v2;
	(erf) = vpow2.f32 v4;
	[tilespmem:s29+$0x0] =	vst v5;
	v4 =	vpop (erf)  }
0x21b: {  	v5 =	vld [tilespmem:s0+$0x0];
	v8 =	vmul.f32 $1.442695020e+00, v1;
	(erf) = vpow2.f32 v9;
	v3 =	vpop (erf);
	[tilespmem:s29+$0xFFFFFFE0] =	vst v4;
	s29 =	smov.u32 s25;
	s25 =	smov.u32 s28;
	s28 =	smov.u32 s30  }
.Ltmp8:
0x21c: {  	s30 =	smov.u32 s0;
	v1 =	vld [tilespmem:s0+$0xFFFFFFE0];
	(erf) = vpow2.f32 v2;
	v2 =	vadd.f32 $1.000000000e+00, v3;
	v3 =	vpop (erf);
	(pc) =	sbr.rel @p3 .LBB2_17-.Ltmp8, $4  }
0x21d: {  	(erf) = vpow2.f32 v8;
	v4 =	vadd.f32 $1.000000000e+00, v3;
	v3 =	vpop (erf)  }
0x21e: {  	v7 =	vsub.f32 $0.0e+00, v7;
	v8 =	vadd.f32 $1.000000000e+00, v3;
	v9 =	vpop (erf);
	(erf) = vrcp.f32 v2  }
0x21f: {  	v3 =	vsub.f32 $0.0e+00, v6;
	v6 =	vadd.f32 $1.000000000e+00, v9;
	(erf) = vrcp.f32 v4;
	v9 =	vpop (erf)  }
0x220: {  	s0 =	sadd.s32 $0x40, s0;
	v2 =	vsub.f32 $0.0e+00, v5;
	v4 =	vmul.f32 $1.442695020e+00, v7;
	(erf) = vrcp.f32 v8;
	[tilespmem:s29+$0x10] =	vst v9;
	v5 =	vpop (erf)  }
0x221: {  	s31 =	smov.u32 s25;
	s25 =	smov.u32 s30  }
.LBB2_19:
0x222: {  	v1 =	vsub.f32 $0.0e+00, v1;
	v3 =	vmul.f32 $1.442695020e+00, v3  }
0x223: {  	v2 =	vmul.f32 $1.442695020e+00, v2  }
0x224: {  	(erf) = vrcp.f32 @p1 v6;
	v6 =	vpop @p2 (erf);
	v1 =	vmul.f32 $1.442695020e+00, v1  }
0x225: {  	(erf) = vpow2.f32 v4;
	v4 =	vpop @p2 (erf)  }
0x226: {  	(erf) = vpow2.f32 v3;
	v3 =	vpop @p0 (erf)  }
0x227: {  	(erf) = vpow2.f32 v2;
	v2 =	vpop @p0 (erf)  }
0x228: {  	(erf) = vpow2.f32 v1;
	v3 =	vadd.f32 @p0 $1.000000000e+00, v3;
	v1 =	vpop @p0 (erf)  }
0x229: {  	v2 =	vadd.f32 @p0 $1.000000000e+00, v2;
	v7 =	vpop @p0 (erf)  }
0x22a: {  	v8 =	vpop @p1 (erf)  }
0x22b: {  	v9 =	vpop @p1 (erf)  }
0x22c: {  	(erf) = vrcp.f32 @p0 v3;
	v3 =	vpop @p1 (erf)  }
0x22d: {  	(erf) = vrcp.f32 @p0 v2;
	v2 =	vpop @p1 (erf)  }
0x22e: {  	v10 =	vpop (erf)  }
0x22f: {  	v1 =	vadd.f32 @p0 $1.000000000e+00, v1;
	v7 =	vadd.f32 @p0 $1.000000000e+00, v7;
	v56 =	vpop (erf)  }
0x230: {  	v57 =	vadd.f32 $1.000000000e+00, v56;
	v58 =	vpop (erf)  }
0x231: {  	v0 =	vpsel p0, v7, v0;
	(erf) = vrcp.f32 @p0 v1;
	v55 =	vadd.f32 $1.000000000e+00, v10;
	v59 =	vpop (erf)  }
0x232: {  	[tilespmem:s29+$0xFFFFFFF0] =	vst @p2 v5;
	s0 =	smov.u32 @p1 s31;
	(erf) = vrcp.f32 @p0 v0;
	v1 =	vadd.f32 $1.000000000e+00, v59;
	v0 =	vpsel p1, v9, v57  }
0x233: {  	[tilespmem:s0+$0x10] =	vst @p1 v8;
	s0 =	smov.u32 @p1 s0;
	v5 =	vadd.f32 $1.000000000e+00, v58;
	(erf) = vrcp.f32 v55  }
0x234: {  	[tilespmem:s0+$0x0] =	vst @p1 v3;
	(erf) = vrcp.f32 v57  }
0x235: {  	s26 =	smov.u32 @p0 s28;
	(erf) = vrcp.f32 v5;
	[tilespmem:s0+$0xFFFFFFF0] =	vst @p1 v0;
	v0 =	vpop @p0 (erf)  }
0x236: {  	[tilespmem:s0+$0xFFFFFFE0] =	vst @p1 v2;
	s0 =	smov.u32 @p0 s26;
	(erf) = vrcp.f32 v1;
	v1 =	vpop @p0 (erf)  }
0x237: {  	[tilespmem:s0+$0x10] =	vst @p0 v0;
	v0 =	vpsel p0, v1, v0  }
0x238: {  	[tilespmem:s29+$0x0] =	vst @p2 v6  }
0x239: {  	[tilespmem:s29+$0xFFFFFFE0] =	vst @p2 v4;
	s0 =	smov.u32 @p0 s0  }
0x23a: {  	[tilespmem:s0+$0xFFFFFFF0] =	vst @p0 v0;
	v0 =	vpop @p0 (erf)  }
0x23b: {  	[tilespmem:s0+$0x0] =	vst @p0 v0;
	v0 =	vpop @p0 (erf)  }
0x23c: {  	[tilespmem:s0+$0xFFFFFFE0] =	vst @p0 v0;
	v60 =	vpop (erf)  }
0x23d: {  	[tilespmem:s25+$0x10] =	vst v60;
	v61 =	vpop (erf)  }
0x23e: {  	[tilespmem:s25+$0xFFFFFFF0] =	vst v61;
	v62 =	vpop (erf)  }
0x23f: {  	s24 =	sadd.s32 $0x1, s24;
	[tilespmem:s25+$0x0] =	vst v62;
	v63 =	vpop (erf)  }
0x240: {  	p0 =	sne.s32 s24, s8;
	[tilespmem:s25+$0xFFFFFFE0] =	vst v63  }
0x241: {  	[hbm4b:s7+s4] =	stream.linear.scatter [tilespmem:s22], [sflag:$0x3], $0x200, $0x38;
	[tilespmem:$0x10680] =	vst v63  }
.Ltmp9:
0x242: {  	_ = 	snop;
	(pc) =	sbr.rel @p0 .LBB2_1-.Ltmp9, $4  }
.Ltmp10:
0x243: {  	_ = 	snop;
	(pc) =	sbr.rel @!p0 .LBB2_20-.Ltmp10, $4  }
0x244: {  	_ =	swait.ge [sflag:s23], $0x200  }
0x245: {  	[sflag:s23] =	ssyncset.done $0x0  }
0x246: {  	[sflag:s23] =	ssyncadd.s32 $0xFFFFFE00  }
0x247: {  	_ = 	snop  }
.LBB2_10:
.Ltmp11:
0x248: {  	(pc) =	sbr.rel .LBB2_19-.Ltmp11, $2  }
0x249: {  	_ =	sdelay $0x2  }
0x24a: {  	s25 =	simm.s32 $0x10420  }
.LBB2_12:
.Ltmp12:
0x24b: {  	(pc) =	sbr.rel .LBB2_19-.Ltmp12, $2  }
0x24c: {  	_ =	sdelay $0x2  }
0x24d: {  	s28 =	simm.s32 $0x10420  }
.LBB2_14:
.Ltmp13:
0x24e: {  	(pc) =	sbr.rel .LBB2_19-.Ltmp13, $2  }
0x24f: {  	_ =	sdelay $0x2  }
0x250: {  	s31 =	simm.s32 $0x10420;
	s28 =	simm.s32 $0x10460;
	s25 =	simm.s32 $0x104A0;
	v6 =	vmov v0  }
.LBB2_16:
.Ltmp14:
0x251: {  	(pc) =	sbr.rel .LBB2_19-.Ltmp14, $2  }
0x252: {  	_ =	sdelay $0x2  }
0x253: {  	s29 =	simm.s32 $0x10420;
	s31 =	simm.s32 $0x10460;
	s25 =	simm.s32 $0x104E0  }
.LBB2_20:
0x254: {  	_ =	sfence.sel $0x180000  }
0x255: {  	[bflag:$0x0] =	sbarrier.arrive $0xFFFF  }
0x256: {  	_ =	strace $0x90000047  }
0x257: {  	[bflag:$0x2] =	sbarrier.arrive $0xFFFF  }
0x258: {  	p0 =	sne.s32 s3, $0x0;
	s0 =	rddreg [dreg:$0x5]  }
0x259: {  	s0 =	sadd.s32 @!p0 $0x100000, s0  }
0x25a: {  	[sflag:s0] =	ssyncadd.tile.s32 @!p0 $0x1;
	_ =	shalt  }
.Lfunc_end2:
_tile_overlayer_lowered:
.L_overlay_start_2:
0x25b: {  	(tag) =	ssettag $0x2  }
0x25c: {  	s0 =	rddreg [dreg:$0x0];
	s2 =	stileid.u32  }
0x25d: {  	s1 =	rddreg [dreg:$0x1];
	p0 =	sne.s32 s2, $0x0  }
0x25e: {  	s3 =	rddreg [dreg:$0x2];
	[bflag:$0x3] =	sbarrier.arrive $0xFFFF;
	s2 =	simm.s32 @!p0 $0x1C03  }
0x25f: {  	[timem:s3], [sflag:s2] =	dma.local @!p0 [hbm:s0], s1  }
0x260: {  	s0 =	simm.s32 @!p0 $0x3  }
0x261: {  	_ =	swait.ge @!p0 [sflag:s0], s1  }
0x262: {  	s1 =	ssub.s32 @!p0 $0x0, s1;
	[sflag:s0] =	ssyncset.done @!p0 $0x0  }
0x263: {  	[sflag:s0] =	ssyncadd.s32 @!p0 s1  }
0x264: {  	[bflag:$0x3] =	sbarrier.arrive $0xFFFF  }
0x265: {  	_ =	shalt  }

</sc_bundles>
